<compile_context>
chip_gen: v7x
topology: tpu7x:2x2x1
jax: 0.10.2.dev20260603
libtpu: 0.0.44.dev20260713+nightly
codegen_flags: <defaults>
</compile_context>

<pallas_src>
import functools

import jax
import jax.numpy as jnp
from jax import lax
from jax.experimental import pallas as pl
from jax.experimental.pallas import tpu as pltpu
from jax.experimental.pallas import tpu_sc as plsc

_NW = 32
_W = 16
_NBUF = 6
_LEAD = 3
_SLACK = 1


@functools.lru_cache(maxsize=None)
def _make_gather(B, V, D):
    b_per_w = B // _NW
    ch = b_per_w // _W
    q = ch // _NBUF
    assert q >= 3 and _LEAD + _SLACK <= _NBUF and _NBUF - _LEAD > _SLACK
    mesh = plsc.VectorSubcoreMesh(core_axis_name="c", subcore_axis_name="s")

    scratch = [pltpu.VMEM((ch, _W), jnp.int32)]
    scratch += [pltpu.VMEM((_W, D), jnp.float32) for _ in range(_NBUF)]
    scratch += [pltpu.SemaphoreType.DMA for _ in range(2 * _NBUF)]

    @functools.partial(
        pl.kernel,
        mesh=mesh,
        out_type=jax.ShapeDtypeStruct((B, D), jnp.float32),
        scratch_types=scratch,
    )
    def k(ids_hbm, table_hbm, out_hbm, idx_v, *rest):
        bufs = list(rest[:_NBUF])
        gsem = list(rest[_NBUF:2 * _NBUF])
        ssem = list(rest[2 * _NBUF:])
        wid = lax.axis_index("s") * 2 + lax.axis_index("c")
        base = wid * b_per_w

        pltpu.sync_copy(ids_hbm.at[wid], idx_v)

        def g_copy(c, b):
            return pltpu.make_async_copy(
                table_hbm.at[idx_v.at[c]], bufs[b], gsem[b])

        def s_copy(c, b):
            return pltpu.make_async_copy(
                bufs[b], out_hbm.at[pl.ds(base + c * _W, _W)], ssem[b])

        def step(c, b, static=False):
            x = c + _LEAD
            bx = (b + _LEAD) % _NBUF
            bs = (b - _SLACK) % _NBUF
            if not static or x < ch:
                if not static or x - _NBUF >= 0:
                    s_copy(x - _NBUF, bx).wait()
                g_copy(x, bx).start()
            g_copy(c, b).wait()
            if not static or c - _SLACK >= 0:
                s_copy(c - _SLACK, bs).start()

        for x in range(min(_LEAD, ch)):
            g_copy(x, x % _NBUF).start()
        for c in range(_NBUF):
            step(c, c % _NBUF, static=True)

        def body(g, carry):
            c0 = g * _NBUF
            for b in range(_NBUF):
                step(c0 + b, b)
            return carry

        lax.fori_loop(1, q - 1, body, 0)

        for c in range((q - 1) * _NBUF, ch):
            step(c, c % _NBUF, static=True)
        for c in range(ch - _SLACK, ch):
            s_copy(c, c % _NBUF).start()
        for c in range(ch - _NBUF, ch):
            s_copy(c, c % _NBUF).wait()

    return k


def kernel(token_ids, table):
    B0, B1 = token_ids.shape
    B = B0 * B1
    V, D = table.shape
    ids = token_ids.reshape(_NW, (B // _NW) // _W, _W)
    out = _make_gather(B, V, D)(ids, table)
    return out.reshape(B0, B1, D)

# --- scband reference (transcript-rebuilt; emitter-appended) ---
"""Pipeline reference for scband-gemma3-embedder-25477746000398 (READ-ONLY COPY).

The authoritative reference and input builder live on the scoring server;
editing this copy changes nothing except your own understanding.
"""

import jax, jax.numpy as jnp
import numpy as np

VOCAB_SIZE = 262144
EMBED_DIM = 1152

def setup_inputs(seed: int = 0) -> dict:
    key = jax.random.key(seed)
    k1, k2 = jax.random.split(key)
    token_ids = jax.random.randint(k1, (4, 8192), 0, VOCAB_SIZE, dtype=jnp.int32)
    table = jax.random.normal(k2, (VOCAB_SIZE, EMBED_DIM), dtype=jnp.float32)
    return {"token_ids": token_ids, "table": table}

def reference(token_ids, table):
    ids = jnp.maximum(token_ids, jnp.int32(0))
    emb = jnp.take(table, ids, axis=0)
    return emb

if __name__ == "__main__":
    import jax
    _d = setup_inputs()
    print(jax.jit(kernel)(*tuple(_d.values())))

</pallas_src>

<mosaic_0001>
#map = affine_map<(d0, d1) -> (0, 0, 0)>
#map1 = affine_map<(d0, d1) -> (0, 0)>
module attributes {stable_mosaic.version = 14 : i64} {
  func.func @k(%arg0: i32, %arg1: i32, %arg2: memref<32x64x16xi32, #tpu.memory_space<hbm>>, %arg3: memref<262144x1152xf32, #tpu.memory_space<hbm>>, %arg4: memref<32768x1152xf32, #tpu.memory_space<hbm>>, %arg5: memref<64x16xi32, #tpu.memory_space<vmem>>, %arg6: memref<16x1152xf32, #tpu.memory_space<vmem>>, %arg7: memref<16x1152xf32, #tpu.memory_space<vmem>>, %arg8: memref<16x1152xf32, #tpu.memory_space<vmem>>, %arg9: memref<16x1152xf32, #tpu.memory_space<vmem>>, %arg10: memref<16x1152xf32, #tpu.memory_space<vmem>>, %arg11: memref<16x1152xf32, #tpu.memory_space<vmem>>, %arg12: memref<!tpu.dma_semaphore, #tpu.memory_space<semaphore_mem>>, %arg13: memref<!tpu.dma_semaphore, #tpu.memory_space<semaphore_mem>>, %arg14: memref<!tpu.dma_semaphore, #tpu.memory_space<semaphore_mem>>, %arg15: memref<!tpu.dma_semaphore, #tpu.memory_space<semaphore_mem>>, %arg16: memref<!tpu.dma_semaphore, #tpu.memory_space<semaphore_mem>>, %arg17: memref<!tpu.dma_semaphore, #tpu.memory_space<semaphore_mem>>, %arg18: memref<!tpu.dma_semaphore, #tpu.memory_space<semaphore_mem>>, %arg19: memref<!tpu.dma_semaphore, #tpu.memory_space<semaphore_mem>>, %arg20: memref<!tpu.dma_semaphore, #tpu.memory_space<semaphore_mem>>, %arg21: memref<!tpu.dma_semaphore, #tpu.memory_space<semaphore_mem>>, %arg22: memref<!tpu.dma_semaphore, #tpu.memory_space<semaphore_mem>>, %arg23: memref<!tpu.dma_semaphore, #tpu.memory_space<semaphore_mem>>) attributes {dimension_semantics = [#tpu.dimension_semantics<core_parallel>, #tpu.dimension_semantics<subcore_parallel>], iteration_bounds = array<i64: 2, 16>, scalar_prefetch = 0 : i64, scratch_operands = 19 : i64, tpu.core_type = #tpu.core_type<sc_vector_subcore>, window_params = [{transform_indices = #map}, {transform_indices = #map1}, {transform_indices = #map1}]} {
    %mul3A = arith.constant 2 : i32
    %mul3A_0 = arith.muli %arg1, %mul3A : i32
    %add3A = arith.addi %mul3A_0, %arg0 : i32
    %mul3A_1 = arith.constant 1024 : i32
    %mul3A_2 = arith.muli %add3A, %mul3A_1 : i32
    "tpu.region"() ({
      %run_scoped3A = tpu.sem_alloc : memref<!tpu.dma_semaphore, #tpu.memory_space<semaphore_mem>>
      %dma_start3A_422 = arith.constant 0 : i32
      %dma_start3A_423 = arith.constant 0 : i32
      %dma_start3A_424 = tpu.memref_slice %arg2[%add3A, %dma_start3A_422, %dma_start3A_423] : memref<32x64x16xi32, #tpu.memory_space<hbm>> -> memref<1x64x16xi32, #tpu.memory_space<hbm>>
      %dma_start3A_425 = tpu.memref_squeeze %dma_start3A_424 : memref<1x64x16xi32, #tpu.memory_space<hbm>> -> memref<64x16xi32, #tpu.memory_space<hbm>>
      %dma_start3A_426 = arith.constant 0 : i32
      %dma_start3A_427 = arith.constant 0 : i32
      %dma_start3A_428 = tpu.memref_slice %arg2[%add3A, %dma_start3A_426, %dma_start3A_427] : memref<32x64x16xi32, #tpu.memory_space<hbm>> -> memref<1x64x16xi32, #tpu.memory_space<hbm>>
      %dma_start3A_429 = tpu.memref_squeeze %dma_start3A_428 : memref<1x64x16xi32, #tpu.memory_space<hbm>> -> memref<64x16xi32, #tpu.memory_space<hbm>>
      tpu.enqueue_dma source(%dma_start3A_429 : memref<64x16xi32, #tpu.memory_space<hbm>>) target(%arg5 : memref<64x16xi32, #tpu.memory_space<vmem>>) target_semaphore(%run_scoped3A : memref<!tpu.dma_semaphore, #tpu.memory_space<semaphore_mem>>)
      %dma_wait3A_430 = arith.constant 0 : i32
      %dma_wait3A_431 = arith.constant 0 : i32
      %dma_wait3A_432 = tpu.memref_slice %arg2[%add3A, %dma_wait3A_430, %dma_wait3A_431] : memref<32x64x16xi32, #tpu.memory_space<hbm>> -> memref<1x64x16xi32, #tpu.memory_space<hbm>>
      %dma_wait3A_433 = tpu.memref_squeeze %dma_wait3A_432 : memref<1x64x16xi32, #tpu.memory_space<hbm>> -> memref<64x16xi32, #tpu.memory_space<hbm>>
      %dma_wait3A_434 = arith.constant 0 : i32
      %dma_wait3A_435 = arith.constant 0 : i32
      %dma_wait3A_436 = tpu.memref_slice %arg2[%add3A, %dma_wait3A_434, %dma_wait3A_435] : memref<32x64x16xi32, #tpu.memory_space<hbm>> -> memref<1x64x16xi32, #tpu.memory_space<hbm>>
      %dma_wait3A_437 = tpu.memref_squeeze %dma_wait3A_436 : memref<1x64x16xi32, #tpu.memory_space<hbm>> -> memref<64x16xi32, #tpu.memory_space<hbm>>
      tpu.wait_dma2 semaphore(%run_scoped3A : memref<!tpu.dma_semaphore, #tpu.memory_space<semaphore_mem>>) src(%dma_wait3A_437 : memref<64x16xi32, #tpu.memory_space<hbm>>) dst(%arg5 : memref<64x16xi32, #tpu.memory_space<vmem>>)
      tpu.yield
    }) : () -> ()
    %dma_start3A = arith.constant 0 : i32
    %dma_start3A_3 = arith.constant 0 : i32
    %dma_start3A_4 = tpu.memref_slice %arg5[%dma_start3A, %dma_start3A_3] : memref<64x16xi32, #tpu.memory_space<vmem>> -> memref<1x16xi32, #tpu.memory_space<vmem>>
    %dma_start3A_5 = tpu.memref_squeeze %dma_start3A_4 : memref<1x16xi32, #tpu.memory_space<vmem>> -> memref<16xi32, #tpu.memory_space<vmem>>
    %dma_start3A_6 = arith.constant 0 : i32
    %dma_start3A_7 = arith.constant 0 : i32
    %dma_start3A_8 = tpu.memref_slice %arg3[%dma_start3A_6, %dma_start3A_7] : memref<262144x1152xf32, #tpu.memory_space<hbm>> -> memref<262144x1152xf32, #tpu.memory_space<hbm>>
    tpu.enqueue_indirect_dma source(%dma_start3A_8 : memref<262144x1152xf32, #tpu.memory_space<hbm>>) target(%arg6 : memref<16x1152xf32, #tpu.memory_space<vmem>>) offsets(%dma_start3A_5 : memref<16xi32, #tpu.memory_space<vmem>>) semaphore(%arg12 : memref<!tpu.dma_semaphore, #tpu.memory_space<semaphore_mem>>)
    %dma_start3A_9 = arith.constant 1 : i32
    %dma_start3A_10 = arith.constant 0 : i32
    %dma_start3A_11 = tpu.memref_slice %arg5[%dma_start3A_9, %dma_start3A_10] : memref<64x16xi32, #tpu.memory_space<vmem>> -> memref<1x16xi32, #tpu.memory_space<vmem>>
    %dma_start3A_12 = tpu.memref_squeeze %dma_start3A_11 : memref<1x16xi32, #tpu.memory_space<vmem>> -> memref<16xi32, #tpu.memory_space<vmem>>
    %dma_start3A_13 = arith.constant 0 : i32
    %dma_start3A_14 = arith.constant 0 : i32
    %dma_start3A_15 = tpu.memref_slice %arg3[%dma_start3A_13, %dma_start3A_14] : memref<262144x1152xf32, #tpu.memory_space<hbm>> -> memref<262144x1152xf32, #tpu.memory_space<hbm>>
    tpu.enqueue_indirect_dma source(%dma_start3A_15 : memref<262144x1152xf32, #tpu.memory_space<hbm>>) target(%arg7 : memref<16x1152xf32, #tpu.memory_space<vmem>>) offsets(%dma_start3A_12 : memref<16xi32, #tpu.memory_space<vmem>>) semaphore(%arg13 : memref<!tpu.dma_semaphore, #tpu.memory_space<semaphore_mem>>)
    %dma_start3A_16 = arith.constant 2 : i32
    %dma_start3A_17 = arith.constant 0 : i32
    %dma_start3A_18 = tpu.memref_slice %arg5[%dma_start3A_16, %dma_start3A_17] : memref<64x16xi32, #tpu.memory_space<vmem>> -> memref<1x16xi32, #tpu.memory_space<vmem>>
    %dma_start3A_19 = tpu.memref_squeeze %dma_start3A_18 : memref<1x16xi32, #tpu.memory_space<vmem>> -> memref<16xi32, #tpu.memory_space<vmem>>
    %dma_start3A_20 = arith.constant 0 : i32
    %dma_start3A_21 = arith.constant 0 : i32
    %dma_start3A_22 = tpu.memref_slice %arg3[%dma_start3A_20, %dma_start3A_21] : memref<262144x1152xf32, #tpu.memory_space<hbm>> -> memref<262144x1152xf32, #tpu.memory_space<hbm>>
    tpu.enqueue_indirect_dma source(%dma_start3A_22 : memref<262144x1152xf32, #tpu.memory_space<hbm>>) target(%arg8 : memref<16x1152xf32, #tpu.memory_space<vmem>>) offsets(%dma_start3A_19 : memref<16xi32, #tpu.memory_space<vmem>>) semaphore(%arg14 : memref<!tpu.dma_semaphore, #tpu.memory_space<semaphore_mem>>)
    %dma_start3A_23 = arith.constant 3 : i32
    %dma_start3A_24 = arith.constant 0 : i32
    %dma_start3A_25 = tpu.memref_slice %arg5[%dma_start3A_23, %dma_start3A_24] : memref<64x16xi32, #tpu.memory_space<vmem>> -> memref<1x16xi32, #tpu.memory_space<vmem>>
    %dma_start3A_26 = tpu.memref_squeeze %dma_start3A_25 : memref<1x16xi32, #tpu.memory_space<vmem>> -> memref<16xi32, #tpu.memory_space<vmem>>
    %dma_start3A_27 = arith.constant 0 : i32
    %dma_start3A_28 = arith.constant 0 : i32
    %dma_start3A_29 = tpu.memref_slice %arg3[%dma_start3A_27, %dma_start3A_28] : memref<262144x1152xf32, #tpu.memory_space<hbm>> -> memref<262144x1152xf32, #tpu.memory_space<hbm>>
    tpu.enqueue_indirect_dma source(%dma_start3A_29 : memref<262144x1152xf32, #tpu.memory_space<hbm>>) target(%arg9 : memref<16x1152xf32, #tpu.memory_space<vmem>>) offsets(%dma_start3A_26 : memref<16xi32, #tpu.memory_space<vmem>>) semaphore(%arg15 : memref<!tpu.dma_semaphore, #tpu.memory_space<semaphore_mem>>)
    %dma_wait3A = arith.constant 0 : i32
    %dma_wait3A_30 = arith.constant 0 : i32
    %dma_wait3A_31 = tpu.memref_slice %arg5[%dma_wait3A, %dma_wait3A_30] : memref<64x16xi32, #tpu.memory_space<vmem>> -> memref<1x16xi32, #tpu.memory_space<vmem>>
    %dma_wait3A_32 = tpu.memref_squeeze %dma_wait3A_31 : memref<1x16xi32, #tpu.memory_space<vmem>> -> memref<16xi32, #tpu.memory_space<vmem>>
    %dma_wait3A_33 = arith.constant 0 : i32
    %dma_wait3A_34 = arith.constant 0 : i32
    %dma_wait3A_35 = tpu.memref_slice %arg3[%dma_wait3A_33, %dma_wait3A_34] : memref<262144x1152xf32, #tpu.memory_space<hbm>> -> memref<262144x1152xf32, #tpu.memory_space<hbm>>
    tpu.wait_indirect_dma semaphore(%arg12 : memref<!tpu.dma_semaphore, #tpu.memory_space<semaphore_mem>>) src(%dma_wait3A_35 : memref<262144x1152xf32, #tpu.memory_space<hbm>>) dst(%arg6 : memref<16x1152xf32, #tpu.memory_space<vmem>>)
    %dma_start3A_36 = arith.constant 4 : i32
    %dma_start3A_37 = arith.constant 0 : i32
    %dma_start3A_38 = tpu.memref_slice %arg5[%dma_start3A_36, %dma_start3A_37] : memref<64x16xi32, #tpu.memory_space<vmem>> -> memref<1x16xi32, #tpu.memory_space<vmem>>
    %dma_start3A_39 = tpu.memref_squeeze %dma_start3A_38 : memref<1x16xi32, #tpu.memory_space<vmem>> -> memref<16xi32, #tpu.memory_space<vmem>>
    %dma_start3A_40 = arith.constant 0 : i32
    %dma_start3A_41 = arith.constant 0 : i32
    %dma_start3A_42 = tpu.memref_slice %arg3[%dma_start3A_40, %dma_start3A_41] : memref<262144x1152xf32, #tpu.memory_space<hbm>> -> memref<262144x1152xf32, #tpu.memory_space<hbm>>
    tpu.enqueue_indirect_dma source(%dma_start3A_42 : memref<262144x1152xf32, #tpu.memory_space<hbm>>) target(%arg10 : memref<16x1152xf32, #tpu.memory_space<vmem>>) offsets(%dma_start3A_39 : memref<16xi32, #tpu.memory_space<vmem>>) semaphore(%arg16 : memref<!tpu.dma_semaphore, #tpu.memory_space<semaphore_mem>>)
    %dma_wait3A_43 = arith.constant 1 : i32
    %dma_wait3A_44 = arith.constant 0 : i32
    %dma_wait3A_45 = tpu.memref_slice %arg5[%dma_wait3A_43, %dma_wait3A_44] : memref<64x16xi32, #tpu.memory_space<vmem>> -> memref<1x16xi32, #tpu.memory_space<vmem>>
    %dma_wait3A_46 = tpu.memref_squeeze %dma_wait3A_45 : memref<1x16xi32, #tpu.memory_space<vmem>> -> memref<16xi32, #tpu.memory_space<vmem>>
    %dma_wait3A_47 = arith.constant 0 : i32
    %dma_wait3A_48 = arith.constant 0 : i32
    %dma_wait3A_49 = tpu.memref_slice %arg3[%dma_wait3A_47, %dma_wait3A_48] : memref<262144x1152xf32, #tpu.memory_space<hbm>> -> memref<262144x1152xf32, #tpu.memory_space<hbm>>
    tpu.wait_indirect_dma semaphore(%arg13 : memref<!tpu.dma_semaphore, #tpu.memory_space<semaphore_mem>>) src(%dma_wait3A_49 : memref<262144x1152xf32, #tpu.memory_space<hbm>>) dst(%arg7 : memref<16x1152xf32, #tpu.memory_space<vmem>>)
    %add3A_50 = arith.constant 0 : i32
    %add3A_51 = arith.addi %mul3A_2, %add3A_50 : i32
    %dma_start3A_52 = arith.constant 0 : i32
    %dma_start3A_53 = tpu.memref_slice %arg4[%add3A_51, %dma_start3A_52] : memref<32768x1152xf32, #tpu.memory_space<hbm>> -> memref<16x1152xf32, #tpu.memory_space<hbm>>
    %dma_start3A_54 = arith.constant 0 : i32
    %dma_start3A_55 = tpu.memref_slice %arg4[%add3A_51, %dma_start3A_54] : memref<32768x1152xf32, #tpu.memory_space<hbm>> -> memref<16x1152xf32, #tpu.memory_space<hbm>>
    tpu.enqueue_dma source(%arg6 : memref<16x1152xf32, #tpu.memory_space<vmem>>) target(%dma_start3A_55 : memref<16x1152xf32, #tpu.memory_space<hbm>>) target_semaphore(%arg18 : memref<!tpu.dma_semaphore, #tpu.memory_space<semaphore_mem>>)
    %dma_start3A_56 = arith.constant 5 : i32
    %dma_start3A_57 = arith.constant 0 : i32
    %dma_start3A_58 = tpu.memref_slice %arg5[%dma_start3A_56, %dma_start3A_57] : memref<64x16xi32, #tpu.memory_space<vmem>> -> memref<1x16xi32, #tpu.memory_space<vmem>>
    %dma_start3A_59 = tpu.memref_squeeze %dma_start3A_58 : memref<1x16xi32, #tpu.memory_space<vmem>> -> memref<16xi32, #tpu.memory_space<vmem>>
    %dma_start3A_60 = arith.constant 0 : i32
    %dma_start3A_61 = arith.constant 0 : i32
    %dma_start3A_62 = tpu.memref_slice %arg3[%dma_start3A_60, %dma_start3A_61] : memref<262144x1152xf32, #tpu.memory_space<hbm>> -> memref<262144x1152xf32, #tpu.memory_space<hbm>>
    tpu.enqueue_indirect_dma source(%dma_start3A_62 : memref<262144x1152xf32, #tpu.memory_space<hbm>>) target(%arg11 : memref<16x1152xf32, #tpu.memory_space<vmem>>) offsets(%dma_start3A_59 : memref<16xi32, #tpu.memory_space<vmem>>) semaphore(%arg17 : memref<!tpu.dma_semaphore, #tpu.memory_space<semaphore_mem>>)
    %dma_wait3A_63 = arith.constant 2 : i32
    %dma_wait3A_64 = arith.constant 0 : i32
    %dma_wait3A_65 = tpu.memref_slice %arg5[%dma_wait3A_63, %dma_wait3A_64] : memref<64x16xi32, #tpu.memory_space<vmem>> -> memref<1x16xi32, #tpu.memory_space<vmem>>
    %dma_wait3A_66 = tpu.memref_squeeze %dma_wait3A_65 : memref<1x16xi32, #tpu.memory_space<vmem>> -> memref<16xi32, #tpu.memory_space<vmem>>
    %dma_wait3A_67 = arith.constant 0 : i32
    %dma_wait3A_68 = arith.constant 0 : i32
    %dma_wait3A_69 = tpu.memref_slice %arg3[%dma_wait3A_67, %dma_wait3A_68] : memref<262144x1152xf32, #tpu.memory_space<hbm>> -> memref<262144x1152xf32, #tpu.memory_space<hbm>>
    tpu.wait_indirect_dma semaphore(%arg14 : memref<!tpu.dma_semaphore, #tpu.memory_space<semaphore_mem>>) src(%dma_wait3A_69 : memref<262144x1152xf32, #tpu.memory_space<hbm>>) dst(%arg8 : memref<16x1152xf32, #tpu.memory_space<vmem>>)
    %add3A_70 = arith.constant 16 : i32
    %add3A_71 = arith.addi %mul3A_2, %add3A_70 : i32
    %dma_start3A_72 = arith.constant 0 : i32
    %dma_start3A_73 = tpu.memref_slice %arg4[%add3A_71, %dma_start3A_72] : memref<32768x1152xf32, #tpu.memory_space<hbm>> -> memref<16x1152xf32, #tpu.memory_space<hbm>>
    %dma_start3A_74 = arith.constant 0 : i32
    %dma_start3A_75 = tpu.memref_slice %arg4[%add3A_71, %dma_start3A_74] : memref<32768x1152xf32, #tpu.memory_space<hbm>> -> memref<16x1152xf32, #tpu.memory_space<hbm>>
    tpu.enqueue_dma source(%arg7 : memref<16x1152xf32, #tpu.memory_space<vmem>>) target(%dma_start3A_75 : memref<16x1152xf32, #tpu.memory_space<hbm>>) target_semaphore(%arg19 : memref<!tpu.dma_semaphore, #tpu.memory_space<semaphore_mem>>)
    %add3A_76 = arith.constant 0 : i32
    %add3A_77 = arith.addi %mul3A_2, %add3A_76 : i32
    %dma_wait3A_78 = arith.constant 0 : i32
    %dma_wait3A_79 = tpu.memref_slice %arg4[%add3A_77, %dma_wait3A_78] : memref<32768x1152xf32, #tpu.memory_space<hbm>> -> memref<16x1152xf32, #tpu.memory_space<hbm>>
    %dma_wait3A_80 = arith.constant 0 : i32
    %dma_wait3A_81 = tpu.memref_slice %arg4[%add3A_77, %dma_wait3A_80] : memref<32768x1152xf32, #tpu.memory_space<hbm>> -> memref<16x1152xf32, #tpu.memory_space<hbm>>
    tpu.wait_dma2 semaphore(%arg18 : memref<!tpu.dma_semaphore, #tpu.memory_space<semaphore_mem>>) src(%arg6 : memref<16x1152xf32, #tpu.memory_space<vmem>>) dst(%dma_wait3A_81 : memref<16x1152xf32, #tpu.memory_space<hbm>>)
    %dma_start3A_82 = arith.constant 6 : i32
    %dma_start3A_83 = arith.constant 0 : i32
    %dma_start3A_84 = tpu.memref_slice %arg5[%dma_start3A_82, %dma_start3A_83] : memref<64x16xi32, #tpu.memory_space<vmem>> -> memref<1x16xi32, #tpu.memory_space<vmem>>
    %dma_start3A_85 = tpu.memref_squeeze %dma_start3A_84 : memref<1x16xi32, #tpu.memory_space<vmem>> -> memref<16xi32, #tpu.memory_space<vmem>>
    %dma_start3A_86 = arith.constant 0 : i32
    %dma_start3A_87 = arith.constant 0 : i32
    %dma_start3A_88 = tpu.memref_slice %arg3[%dma_start3A_86, %dma_start3A_87] : memref<262144x1152xf32, #tpu.memory_space<hbm>> -> memref<262144x1152xf32, #tpu.memory_space<hbm>>
    tpu.enqueue_indirect_dma source(%dma_start3A_88 : memref<262144x1152xf32, #tpu.memory_space<hbm>>) target(%arg6 : memref<16x1152xf32, #tpu.memory_space<vmem>>) offsets(%dma_start3A_85 : memref<16xi32, #tpu.memory_space<vmem>>) semaphore(%arg12 : memref<!tpu.dma_semaphore, #tpu.memory_space<semaphore_mem>>)
    %dma_wait3A_89 = arith.constant 3 : i32
    %dma_wait3A_90 = arith.constant 0 : i32
    %dma_wait3A_91 = tpu.memref_slice %arg5[%dma_wait3A_89, %dma_wait3A_90] : memref<64x16xi32, #tpu.memory_space<vmem>> -> memref<1x16xi32, #tpu.memory_space<vmem>>
    %dma_wait3A_92 = tpu.memref_squeeze %dma_wait3A_91 : memref<1x16xi32, #tpu.memory_space<vmem>> -> memref<16xi32, #tpu.memory_space<vmem>>
    %dma_wait3A_93 = arith.constant 0 : i32
    %dma_wait3A_94 = arith.constant 0 : i32
    %dma_wait3A_95 = tpu.memref_slice %arg3[%dma_wait3A_93, %dma_wait3A_94] : memref<262144x1152xf32, #tpu.memory_space<hbm>> -> memref<262144x1152xf32, #tpu.memory_space<hbm>>
    tpu.wait_indirect_dma semaphore(%arg15 : memref<!tpu.dma_semaphore, #tpu.memory_space<semaphore_mem>>) src(%dma_wait3A_95 : memref<262144x1152xf32, #tpu.memory_space<hbm>>) dst(%arg9 : memref<16x1152xf32, #tpu.memory_space<vmem>>)
    %add3A_96 = arith.constant 32 : i32
    %add3A_97 = arith.addi %mul3A_2, %add3A_96 : i32
    %dma_start3A_98 = arith.constant 0 : i32
    %dma_start3A_99 = tpu.memref_slice %arg4[%add3A_97, %dma_start3A_98] : memref<32768x1152xf32, #tpu.memory_space<hbm>> -> memref<16x1152xf32, #tpu.memory_space<hbm>>
    %dma_start3A_100 = arith.constant 0 : i32
    %dma_start3A_101 = tpu.memref_slice %arg4[%add3A_97, %dma_start3A_100] : memref<32768x1152xf32, #tpu.memory_space<hbm>> -> memref<16x1152xf32, #tpu.memory_space<hbm>>
    tpu.enqueue_dma source(%arg8 : memref<16x1152xf32, #tpu.memory_space<vmem>>) target(%dma_start3A_101 : memref<16x1152xf32, #tpu.memory_space<hbm>>) target_semaphore(%arg20 : memref<!tpu.dma_semaphore, #tpu.memory_space<semaphore_mem>>)
    %add3A_102 = arith.constant 16 : i32
    %add3A_103 = arith.addi %mul3A_2, %add3A_102 : i32
    %dma_wait3A_104 = arith.constant 0 : i32
    %dma_wait3A_105 = tpu.memref_slice %arg4[%add3A_103, %dma_wait3A_104] : memref<32768x1152xf32, #tpu.memory_space<hbm>> -> memref<16x1152xf32, #tpu.memory_space<hbm>>
    %dma_wait3A_106 = arith.constant 0 : i32
    %dma_wait3A_107 = tpu.memref_slice %arg4[%add3A_103, %dma_wait3A_106] : memref<32768x1152xf32, #tpu.memory_space<hbm>> -> memref<16x1152xf32, #tpu.memory_space<hbm>>
    tpu.wait_dma2 semaphore(%arg19 : memref<!tpu.dma_semaphore, #tpu.memory_space<semaphore_mem>>) src(%arg7 : memref<16x1152xf32, #tpu.memory_space<vmem>>) dst(%dma_wait3A_107 : memref<16x1152xf32, #tpu.memory_space<hbm>>)
    %dma_start3A_108 = arith.constant 7 : i32
    %dma_start3A_109 = arith.constant 0 : i32
    %dma_start3A_110 = tpu.memref_slice %arg5[%dma_start3A_108, %dma_start3A_109] : memref<64x16xi32, #tpu.memory_space<vmem>> -> memref<1x16xi32, #tpu.memory_space<vmem>>
    %dma_start3A_111 = tpu.memref_squeeze %dma_start3A_110 : memref<1x16xi32, #tpu.memory_space<vmem>> -> memref<16xi32, #tpu.memory_space<vmem>>
    %dma_start3A_112 = arith.constant 0 : i32
    %dma_start3A_113 = arith.constant 0 : i32
    %dma_start3A_114 = tpu.memref_slice %arg3[%dma_start3A_112, %dma_start3A_113] : memref<262144x1152xf32, #tpu.memory_space<hbm>> -> memref<262144x1152xf32, #tpu.memory_space<hbm>>
    tpu.enqueue_indirect_dma source(%dma_start3A_114 : memref<262144x1152xf32, #tpu.memory_space<hbm>>) target(%arg7 : memref<16x1152xf32, #tpu.memory_space<vmem>>) offsets(%dma_start3A_111 : memref<16xi32, #tpu.memory_space<vmem>>) semaphore(%arg13 : memref<!tpu.dma_semaphore, #tpu.memory_space<semaphore_mem>>)
    %dma_wait3A_115 = arith.constant 4 : i32
    %dma_wait3A_116 = arith.constant 0 : i32
    %dma_wait3A_117 = tpu.memref_slice %arg5[%dma_wait3A_115, %dma_wait3A_116] : memref<64x16xi32, #tpu.memory_space<vmem>> -> memref<1x16xi32, #tpu.memory_space<vmem>>
    %dma_wait3A_118 = tpu.memref_squeeze %dma_wait3A_117 : memref<1x16xi32, #tpu.memory_space<vmem>> -> memref<16xi32, #tpu.memory_space<vmem>>
    %dma_wait3A_119 = arith.constant 0 : i32
    %dma_wait3A_120 = arith.constant 0 : i32
    %dma_wait3A_121 = tpu.memref_slice %arg3[%dma_wait3A_119, %dma_wait3A_120] : memref<262144x1152xf32, #tpu.memory_space<hbm>> -> memref<262144x1152xf32, #tpu.memory_space<hbm>>
    tpu.wait_indirect_dma semaphore(%arg16 : memref<!tpu.dma_semaphore, #tpu.memory_space<semaphore_mem>>) src(%dma_wait3A_121 : memref<262144x1152xf32, #tpu.memory_space<hbm>>) dst(%arg10 : memref<16x1152xf32, #tpu.memory_space<vmem>>)
    %add3A_122 = arith.constant 48 : i32
    %add3A_123 = arith.addi %mul3A_2, %add3A_122 : i32
    %dma_start3A_124 = arith.constant 0 : i32
    %dma_start3A_125 = tpu.memref_slice %arg4[%add3A_123, %dma_start3A_124] : memref<32768x1152xf32, #tpu.memory_space<hbm>> -> memref<16x1152xf32, #tpu.memory_space<hbm>>
    %dma_start3A_126 = arith.constant 0 : i32
    %dma_start3A_127 = tpu.memref_slice %arg4[%add3A_123, %dma_start3A_126] : memref<32768x1152xf32, #tpu.memory_space<hbm>> -> memref<16x1152xf32, #tpu.memory_space<hbm>>
    tpu.enqueue_dma source(%arg9 : memref<16x1152xf32, #tpu.memory_space<vmem>>) target(%dma_start3A_127 : memref<16x1152xf32, #tpu.memory_space<hbm>>) target_semaphore(%arg21 : memref<!tpu.dma_semaphore, #tpu.memory_space<semaphore_mem>>)
    %add3A_128 = arith.constant 32 : i32
    %add3A_129 = arith.addi %mul3A_2, %add3A_128 : i32
    %dma_wait3A_130 = arith.constant 0 : i32
    %dma_wait3A_131 = tpu.memref_slice %arg4[%add3A_129, %dma_wait3A_130] : memref<32768x1152xf32, #tpu.memory_space<hbm>> -> memref<16x1152xf32, #tpu.memory_space<hbm>>
    %dma_wait3A_132 = arith.constant 0 : i32
    %dma_wait3A_133 = tpu.memref_slice %arg4[%add3A_129, %dma_wait3A_132] : memref<32768x1152xf32, #tpu.memory_space<hbm>> -> memref<16x1152xf32, #tpu.memory_space<hbm>>
    tpu.wait_dma2 semaphore(%arg20 : memref<!tpu.dma_semaphore, #tpu.memory_space<semaphore_mem>>) src(%arg8 : memref<16x1152xf32, #tpu.memory_space<vmem>>) dst(%dma_wait3A_133 : memref<16x1152xf32, #tpu.memory_space<hbm>>)
    %dma_start3A_134 = arith.constant 8 : i32
    %dma_start3A_135 = arith.constant 0 : i32
    %dma_start3A_136 = tpu.memref_slice %arg5[%dma_start3A_134, %dma_start3A_135] : memref<64x16xi32, #tpu.memory_space<vmem>> -> memref<1x16xi32, #tpu.memory_space<vmem>>
    %dma_start3A_137 = tpu.memref_squeeze %dma_start3A_136 : memref<1x16xi32, #tpu.memory_space<vmem>> -> memref<16xi32, #tpu.memory_space<vmem>>
    %dma_start3A_138 = arith.constant 0 : i32
    %dma_start3A_139 = arith.constant 0 : i32
    %dma_start3A_140 = tpu.memref_slice %arg3[%dma_start3A_138, %dma_start3A_139] : memref<262144x1152xf32, #tpu.memory_space<hbm>> -> memref<262144x1152xf32, #tpu.memory_space<hbm>>
    tpu.enqueue_indirect_dma source(%dma_start3A_140 : memref<262144x1152xf32, #tpu.memory_space<hbm>>) target(%arg8 : memref<16x1152xf32, #tpu.memory_space<vmem>>) offsets(%dma_start3A_137 : memref<16xi32, #tpu.memory_space<vmem>>) semaphore(%arg14 : memref<!tpu.dma_semaphore, #tpu.memory_space<semaphore_mem>>)
    %dma_wait3A_141 = arith.constant 5 : i32
    %dma_wait3A_142 = arith.constant 0 : i32
    %dma_wait3A_143 = tpu.memref_slice %arg5[%dma_wait3A_141, %dma_wait3A_142] : memref<64x16xi32, #tpu.memory_space<vmem>> -> memref<1x16xi32, #tpu.memory_space<vmem>>
    %dma_wait3A_144 = tpu.memref_squeeze %dma_wait3A_143 : memref<1x16xi32, #tpu.memory_space<vmem>> -> memref<16xi32, #tpu.memory_space<vmem>>
    %dma_wait3A_145 = arith.constant 0 : i32
    %dma_wait3A_146 = arith.constant 0 : i32
    %dma_wait3A_147 = tpu.memref_slice %arg3[%dma_wait3A_145, %dma_wait3A_146] : memref<262144x1152xf32, #tpu.memory_space<hbm>> -> memref<262144x1152xf32, #tpu.memory_space<hbm>>
    tpu.wait_indirect_dma semaphore(%arg17 : memref<!tpu.dma_semaphore, #tpu.memory_space<semaphore_mem>>) src(%dma_wait3A_147 : memref<262144x1152xf32, #tpu.memory_space<hbm>>) dst(%arg11 : memref<16x1152xf32, #tpu.memory_space<vmem>>)
    %add3A_148 = arith.constant 64 : i32
    %add3A_149 = arith.addi %mul3A_2, %add3A_148 : i32
    %dma_start3A_150 = arith.constant 0 : i32
    %dma_start3A_151 = tpu.memref_slice %arg4[%add3A_149, %dma_start3A_150] : memref<32768x1152xf32, #tpu.memory_space<hbm>> -> memref<16x1152xf32, #tpu.memory_space<hbm>>
    %dma_start3A_152 = arith.constant 0 : i32
    %dma_start3A_153 = tpu.memref_slice %arg4[%add3A_149, %dma_start3A_152] : memref<32768x1152xf32, #tpu.memory_space<hbm>> -> memref<16x1152xf32, #tpu.memory_space<hbm>>
    tpu.enqueue_dma source(%arg10 : memref<16x1152xf32, #tpu.memory_space<vmem>>) target(%dma_start3A_153 : memref<16x1152xf32, #tpu.memory_space<hbm>>) target_semaphore(%arg22 : memref<!tpu.dma_semaphore, #tpu.memory_space<semaphore_mem>>)
    %scan3A = arith.constant 0 : i32
    %scan3A_154 = arith.constant 1 : i32
    %scan3A_155 = arith.constant 8 : i32
    %scan3A_156 = arith.addi %scan3A_154, %scan3A_155 : i32
    %scan3A_157 = arith.constant 1 : i32
    scf.for %scan3A_422 = %scan3A_154 to %scan3A_156 step %scan3A_157  : i32 {
      %mul3A_423 = arith.constant 6 : i32
      %mul3A_424 = arith.muli %scan3A_422, %mul3A_423 : i32
      %add3A_425 = arith.constant 0 : i32
      %add3A_426 = arith.addi %mul3A_424, %add3A_425 : i32
      %add3A_427 = arith.constant 3 : i32
      %add3A_428 = arith.addi %add3A_426, %add3A_427 : i32
      %sub3A = arith.constant 6 : i32
      %sub3A_429 = arith.subi %add3A_428, %sub3A : i32
      %mul3A_430 = arith.constant 16 : i32
      %mul3A_431 = arith.muli %sub3A_429, %mul3A_430 : i32
      %add3A_432 = arith.addi %mul3A_2, %mul3A_431 : i32
      %dma_wait3A_433 = arith.constant 0 : i32
      %dma_wait3A_434 = tpu.memref_slice %arg4[%add3A_432, %dma_wait3A_433] : memref<32768x1152xf32, #tpu.memory_space<hbm>> -> memref<16x1152xf32, #tpu.memory_space<hbm>>
      %dma_wait3A_435 = arith.constant 0 : i32
      %dma_wait3A_436 = tpu.memref_slice %arg4[%add3A_432, %dma_wait3A_435] : memref<32768x1152xf32, #tpu.memory_space<hbm>> -> memref<16x1152xf32, #tpu.memory_space<hbm>>
      tpu.wait_dma2 semaphore(%arg21 : memref<!tpu.dma_semaphore, #tpu.memory_space<semaphore_mem>>) src(%arg9 : memref<16x1152xf32, #tpu.memory_space<vmem>>) dst(%dma_wait3A_436 : memref<16x1152xf32, #tpu.memory_space<hbm>>)
      %dma_start3A_437 = arith.constant 0 : i32
      %dma_start3A_438 = tpu.memref_slice %arg5[%add3A_428, %dma_start3A_437] : memref<64x16xi32, #tpu.memory_space<vmem>> -> memref<1x16xi32, #tpu.memory_space<vmem>>
      %dma_start3A_439 = tpu.memref_squeeze %dma_start3A_438 : memref<1x16xi32, #tpu.memory_space<vmem>> -> memref<16xi32, #tpu.memory_space<vmem>>
      %dma_start3A_440 = arith.constant 0 : i32
      %dma_start3A_441 = arith.constant 0 : i32
      %dma_start3A_442 = tpu.memref_slice %arg3[%dma_start3A_440, %dma_start3A_441] : memref<262144x1152xf32, #tpu.memory_space<hbm>> -> memref<262144x1152xf32, #tpu.memory_space<hbm>>
      tpu.enqueue_indirect_dma source(%dma_start3A_442 : memref<262144x1152xf32, #tpu.memory_space<hbm>>) target(%arg9 : memref<16x1152xf32, #tpu.memory_space<vmem>>) offsets(%dma_start3A_439 : memref<16xi32, #tpu.memory_space<vmem>>) semaphore(%arg15 : memref<!tpu.dma_semaphore, #tpu.memory_space<semaphore_mem>>)
      %dma_wait3A_443 = arith.constant 0 : i32
      %dma_wait3A_444 = tpu.memref_slice %arg5[%add3A_426, %dma_wait3A_443] : memref<64x16xi32, #tpu.memory_space<vmem>> -> memref<1x16xi32, #tpu.memory_space<vmem>>
      %dma_wait3A_445 = tpu.memref_squeeze %dma_wait3A_444 : memref<1x16xi32, #tpu.memory_space<vmem>> -> memref<16xi32, #tpu.memory_space<vmem>>
      %dma_wait3A_446 = arith.constant 0 : i32
      %dma_wait3A_447 = arith.constant 0 : i32
      %dma_wait3A_448 = tpu.memref_slice %arg3[%dma_wait3A_446, %dma_wait3A_447] : memref<262144x1152xf32, #tpu.memory_space<hbm>> -> memref<262144x1152xf32, #tpu.memory_space<hbm>>
      tpu.wait_indirect_dma semaphore(%arg12 : memref<!tpu.dma_semaphore, #tpu.memory_space<semaphore_mem>>) src(%dma_wait3A_448 : memref<262144x1152xf32, #tpu.memory_space<hbm>>) dst(%arg6 : memref<16x1152xf32, #tpu.memory_space<vmem>>)
      %sub3A_449 = arith.constant 1 : i32
      %sub3A_450 = arith.subi %add3A_426, %sub3A_449 : i32
      %mul3A_451 = arith.constant 16 : i32
      %mul3A_452 = arith.muli %sub3A_450, %mul3A_451 : i32
      %add3A_453 = arith.addi %mul3A_2, %mul3A_452 : i32
      %dma_start3A_454 = arith.constant 0 : i32
      %dma_start3A_455 = tpu.memref_slice %arg4[%add3A_453, %dma_start3A_454] : memref<32768x1152xf32, #tpu.memory_space<hbm>> -> memref<16x1152xf32, #tpu.memory_space<hbm>>
      %dma_start3A_456 = arith.constant 0 : i32
      %dma_start3A_457 = tpu.memref_slice %arg4[%add3A_453, %dma_start3A_456] : memref<32768x1152xf32, #tpu.memory_space<hbm>> -> memref<16x1152xf32, #tpu.memory_space<hbm>>
      tpu.enqueue_dma source(%arg11 : memref<16x1152xf32, #tpu.memory_space<vmem>>) target(%dma_start3A_457 : memref<16x1152xf32, #tpu.memory_space<hbm>>) target_semaphore(%arg23 : memref<!tpu.dma_semaphore, #tpu.memory_space<semaphore_mem>>)
      %add3A_458 = arith.constant 1 : i32
      %add3A_459 = arith.addi %mul3A_424, %add3A_458 : i32
      %add3A_460 = arith.constant 3 : i32
      %add3A_461 = arith.addi %add3A_459, %add3A_460 : i32
      %sub3A_462 = arith.constant 6 : i32
      %sub3A_463 = arith.subi %add3A_461, %sub3A_462 : i32
      %mul3A_464 = arith.constant 16 : i32
      %mul3A_465 = arith.muli %sub3A_463, %mul3A_464 : i32
      %add3A_466 = arith.addi %mul3A_2, %mul3A_465 : i32
      %dma_wait3A_467 = arith.constant 0 : i32
      %dma_wait3A_468 = tpu.memref_slice %arg4[%add3A_466, %dma_wait3A_467] : memref<32768x1152xf32, #tpu.memory_space<hbm>> -> memref<16x1152xf32, #tpu.memory_space<hbm>>
      %dma_wait3A_469 = arith.constant 0 : i32
      %dma_wait3A_470 = tpu.memref_slice %arg4[%add3A_466, %dma_wait3A_469] : memref<32768x1152xf32, #tpu.memory_space<hbm>> -> memref<16x1152xf32, #tpu.memory_space<hbm>>
      tpu.wait_dma2 semaphore(%arg22 : memref<!tpu.dma_semaphore, #tpu.memory_space<semaphore_mem>>) src(%arg10 : memref<16x1152xf32, #tpu.memory_space<vmem>>) dst(%dma_wait3A_470 : memref<16x1152xf32, #tpu.memory_space<hbm>>)
      %dma_start3A_471 = arith.constant 0 : i32
      %dma_start3A_472 = tpu.memref_slice %arg5[%add3A_461, %dma_start3A_471] : memref<64x16xi32, #tpu.memory_space<vmem>> -> memref<1x16xi32, #tpu.memory_space<vmem>>
      %dma_start3A_473 = tpu.memref_squeeze %dma_start3A_472 : memref<1x16xi32, #tpu.memory_space<vmem>> -> memref<16xi32, #tpu.memory_space<vmem>>
      %dma_start3A_474 = arith.constant 0 : i32
      %dma_start3A_475 = arith.constant 0 : i32
      %dma_start3A_476 = tpu.memref_slice %arg3[%dma_start3A_474, %dma_start3A_475] : memref<262144x1152xf32, #tpu.memory_space<hbm>> -> memref<262144x1152xf32, #tpu.memory_space<hbm>>
      tpu.enqueue_indirect_dma source(%dma_start3A_476 : memref<262144x1152xf32, #tpu.memory_space<hbm>>) target(%arg10 : memref<16x1152xf32, #tpu.memory_space<vmem>>) offsets(%dma_start3A_473 : memref<16xi32, #tpu.memory_space<vmem>>) semaphore(%arg16 : memref<!tpu.dma_semaphore, #tpu.memory_space<semaphore_mem>>)
      %dma_wait3A_477 = arith.constant 0 : i32
      %dma_wait3A_478 = tpu.memref_slice %arg5[%add3A_459, %dma_wait3A_477] : memref<64x16xi32, #tpu.memory_space<vmem>> -> memref<1x16xi32, #tpu.memory_space<vmem>>
      %dma_wait3A_479 = tpu.memref_squeeze %dma_wait3A_478 : memref<1x16xi32, #tpu.memory_space<vmem>> -> memref<16xi32, #tpu.memory_space<vmem>>
      %dma_wait3A_480 = arith.constant 0 : i32
      %dma_wait3A_481 = arith.constant 0 : i32
      %dma_wait3A_482 = tpu.memref_slice %arg3[%dma_wait3A_480, %dma_wait3A_481] : memref<262144x1152xf32, #tpu.memory_space<hbm>> -> memref<262144x1152xf32, #tpu.memory_space<hbm>>
      tpu.wait_indirect_dma semaphore(%arg13 : memref<!tpu.dma_semaphore, #tpu.memory_space<semaphore_mem>>) src(%dma_wait3A_482 : memref<262144x1152xf32, #tpu.memory_space<hbm>>) dst(%arg7 : memref<16x1152xf32, #tpu.memory_space<vmem>>)
      %sub3A_483 = arith.constant 1 : i32
      %sub3A_484 = arith.subi %add3A_459, %sub3A_483 : i32
      %mul3A_485 = arith.constant 16 : i32
      %mul3A_486 = arith.muli %sub3A_484, %mul3A_485 : i32
      %add3A_487 = arith.addi %mul3A_2, %mul3A_486 : i32
      %dma_start3A_488 = arith.constant 0 : i32
      %dma_start3A_489 = tpu.memref_slice %arg4[%add3A_487, %dma_start3A_488] : memref<32768x1152xf32, #tpu.memory_space<hbm>> -> memref<16x1152xf32, #tpu.memory_space<hbm>>
      %dma_start3A_490 = arith.constant 0 : i32
      %dma_start3A_491 = tpu.memref_slice %arg4[%add3A_487, %dma_start3A_490] : memref<32768x1152xf32, #tpu.memory_space<hbm>> -> memref<16x1152xf32, #tpu.memory_space<hbm>>
      tpu.enqueue_dma source(%arg6 : memref<16x1152xf32, #tpu.memory_space<vmem>>) target(%dma_start3A_491 : memref<16x1152xf32, #tpu.memory_space<hbm>>) target_semaphore(%arg18 : memref<!tpu.dma_semaphore, #tpu.memory_space<semaphore_mem>>)
      %add3A_492 = arith.constant 2 : i32
      %add3A_493 = arith.addi %mul3A_424, %add3A_492 : i32
      %add3A_494 = arith.constant 3 : i32
      %add3A_495 = arith.addi %add3A_493, %add3A_494 : i32
      %sub3A_496 = arith.constant 6 : i32
      %sub3A_497 = arith.subi %add3A_495, %sub3A_496 : i32
      %mul3A_498 = arith.constant 16 : i32
      %mul3A_499 = arith.muli %sub3A_497, %mul3A_498 : i32
      %add3A_500 = arith.addi %mul3A_2, %mul3A_499 : i32
      %dma_wait3A_501 = arith.constant 0 : i32
      %dma_wait3A_502 = tpu.memref_slice %arg4[%add3A_500, %dma_wait3A_501] : memref<32768x1152xf32, #tpu.memory_space<hbm>> -> memref<16x1152xf32, #tpu.memory_space<hbm>>
      %dma_wait3A_503 = arith.constant 0 : i32
      %dma_wait3A_504 = tpu.memref_slice %arg4[%add3A_500, %dma_wait3A_503] : memref<32768x1152xf32, #tpu.memory_space<hbm>> -> memref<16x1152xf32, #tpu.memory_space<hbm>>
      tpu.wait_dma2 semaphore(%arg23 : memref<!tpu.dma_semaphore, #tpu.memory_space<semaphore_mem>>) src(%arg11 : memref<16x1152xf32, #tpu.memory_space<vmem>>) dst(%dma_wait3A_504 : memref<16x1152xf32, #tpu.memory_space<hbm>>)
      %dma_start3A_505 = arith.constant 0 : i32
      %dma_start3A_506 = tpu.memref_slice %arg5[%add3A_495, %dma_start3A_505] : memref<64x16xi32, #tpu.memory_space<vmem>> -> memref<1x16xi32, #tpu.memory_space<vmem>>
      %dma_start3A_507 = tpu.memref_squeeze %dma_start3A_506 : memref<1x16xi32, #tpu.memory_space<vmem>> -> memref<16xi32, #tpu.memory_space<vmem>>
      %dma_start3A_508 = arith.constant 0 : i32
      %dma_start3A_509 = arith.constant 0 : i32
      %dma_start3A_510 = tpu.memref_slice %arg3[%dma_start3A_508, %dma_start3A_509] : memref<262144x1152xf32, #tpu.memory_space<hbm>> -> memref<262144x1152xf32, #tpu.memory_space<hbm>>
      tpu.enqueue_indirect_dma source(%dma_start3A_510 : memref<262144x1152xf32, #tpu.memory_space<hbm>>) target(%arg11 : memref<16x1152xf32, #tpu.memory_space<vmem>>) offsets(%dma_start3A_507 : memref<16xi32, #tpu.memory_space<vmem>>) semaphore(%arg17 : memref<!tpu.dma_semaphore, #tpu.memory_space<semaphore_mem>>)
      %dma_wait3A_511 = arith.constant 0 : i32
      %dma_wait3A_512 = tpu.memref_slice %arg5[%add3A_493, %dma_wait3A_511] : memref<64x16xi32, #tpu.memory_space<vmem>> -> memref<1x16xi32, #tpu.memory_space<vmem>>
      %dma_wait3A_513 = tpu.memref_squeeze %dma_wait3A_512 : memref<1x16xi32, #tpu.memory_space<vmem>> -> memref<16xi32, #tpu.memory_space<vmem>>
      %dma_wait3A_514 = arith.constant 0 : i32
      %dma_wait3A_515 = arith.constant 0 : i32
      %dma_wait3A_516 = tpu.memref_slice %arg3[%dma_wait3A_514, %dma_wait3A_515] : memref<262144x1152xf32, #tpu.memory_space<hbm>> -> memref<262144x1152xf32, #tpu.memory_space<hbm>>
      tpu.wait_indirect_dma semaphore(%arg14 : memref<!tpu.dma_semaphore, #tpu.memory_space<semaphore_mem>>) src(%dma_wait3A_516 : memref<262144x1152xf32, #tpu.memory_space<hbm>>) dst(%arg8 : memref<16x1152xf32, #tpu.memory_space<vmem>>)
      %sub3A_517 = arith.constant 1 : i32
      %sub3A_518 = arith.subi %add3A_493, %sub3A_517 : i32
      %mul3A_519 = arith.constant 16 : i32
      %mul3A_520 = arith.muli %sub3A_518, %mul3A_519 : i32
      %add3A_521 = arith.addi %mul3A_2, %mul3A_520 : i32
      %dma_start3A_522 = arith.constant 0 : i32
      %dma_start3A_523 = tpu.memref_slice %arg4[%add3A_521, %dma_start3A_522] : memref<32768x1152xf32, #tpu.memory_space<hbm>> -> memref<16x1152xf32, #tpu.memory_space<hbm>>
      %dma_start3A_524 = arith.constant 0 : i32
      %dma_start3A_525 = tpu.memref_slice %arg4[%add3A_521, %dma_start3A_524] : memref<32768x1152xf32, #tpu.memory_space<hbm>> -> memref<16x1152xf32, #tpu.memory_space<hbm>>
      tpu.enqueue_dma source(%arg7 : memref<16x1152xf32, #tpu.memory_space<vmem>>) target(%dma_start3A_525 : memref<16x1152xf32, #tpu.memory_space<hbm>>) target_semaphore(%arg19 : memref<!tpu.dma_semaphore, #tpu.memory_space<semaphore_mem>>)
      %add3A_526 = arith.constant 3 : i32
      %add3A_527 = arith.addi %mul3A_424, %add3A_526 : i32
      %add3A_528 = arith.constant 3 : i32
      %add3A_529 = arith.addi %add3A_527, %add3A_528 : i32
      %sub3A_530 = arith.constant 6 : i32
      %sub3A_531 = arith.subi %add3A_529, %sub3A_530 : i32
      %mul3A_532 = arith.constant 16 : i32
      %mul3A_533 = arith.muli %sub3A_531, %mul3A_532 : i32
      %add3A_534 = arith.addi %mul3A_2, %mul3A_533 : i32
      %dma_wait3A_535 = arith.constant 0 : i32
      %dma_wait3A_536 = tpu.memref_slice %arg4[%add3A_534, %dma_wait3A_535] : memref<32768x1152xf32, #tpu.memory_space<hbm>> -> memref<16x1152xf32, #tpu.memory_space<hbm>>
      %dma_wait3A_537 = arith.constant 0 : i32
      %dma_wait3A_538 = tpu.memref_slice %arg4[%add3A_534, %dma_wait3A_537] : memref<32768x1152xf32, #tpu.memory_space<hbm>> -> memref<16x1152xf32, #tpu.memory_space<hbm>>
      tpu.wait_dma2 semaphore(%arg18 : memref<!tpu.dma_semaphore, #tpu.memory_space<semaphore_mem>>) src(%arg6 : memref<16x1152xf32, #tpu.memory_space<vmem>>) dst(%dma_wait3A_538 : memref<16x1152xf32, #tpu.memory_space<hbm>>)
      %dma_start3A_539 = arith.constant 0 : i32
      %dma_start3A_540 = tpu.memref_slice %arg5[%add3A_529, %dma_start3A_539] : memref<64x16xi32, #tpu.memory_space<vmem>> -> memref<1x16xi32, #tpu.memory_space<vmem>>
      %dma_start3A_541 = tpu.memref_squeeze %dma_start3A_540 : memref<1x16xi32, #tpu.memory_space<vmem>> -> memref<16xi32, #tpu.memory_space<vmem>>
      %dma_start3A_542 = arith.constant 0 : i32
      %dma_start3A_543 = arith.constant 0 : i32
      %dma_start3A_544 = tpu.memref_slice %arg3[%dma_start3A_542, %dma_start3A_543] : memref<262144x1152xf32, #tpu.memory_space<hbm>> -> memref<262144x1152xf32, #tpu.memory_space<hbm>>
      tpu.enqueue_indirect_dma source(%dma_start3A_544 : memref<262144x1152xf32, #tpu.memory_space<hbm>>) target(%arg6 : memref<16x1152xf32, #tpu.memory_space<vmem>>) offsets(%dma_start3A_541 : memref<16xi32, #tpu.memory_space<vmem>>) semaphore(%arg12 : memref<!tpu.dma_semaphore, #tpu.memory_space<semaphore_mem>>)
      %dma_wait3A_545 = arith.constant 0 : i32
      %dma_wait3A_546 = tpu.memref_slice %arg5[%add3A_527, %dma_wait3A_545] : memref<64x16xi32, #tpu.memory_space<vmem>> -> memref<1x16xi32, #tpu.memory_space<vmem>>
      %dma_wait3A_547 = tpu.memref_squeeze %dma_wait3A_546 : memref<1x16xi32, #tpu.memory_space<vmem>> -> memref<16xi32, #tpu.memory_space<vmem>>
      %dma_wait3A_548 = arith.constant 0 : i32
      %dma_wait3A_549 = arith.constant 0 : i32
      %dma_wait3A_550 = tpu.memref_slice %arg3[%dma_wait3A_548, %dma_wait3A_549] : memref<262144x1152xf32, #tpu.memory_space<hbm>> -> memref<262144x1152xf32, #tpu.memory_space<hbm>>
      tpu.wait_indirect_dma semaphore(%arg15 : memref<!tpu.dma_semaphore, #tpu.memory_space<semaphore_mem>>) src(%dma_wait3A_550 : memref<262144x1152xf32, #tpu.memory_space<hbm>>) dst(%arg9 : memref<16x1152xf32, #tpu.memory_space<vmem>>)
      %sub3A_551 = arith.constant 1 : i32
      %sub3A_552 = arith.subi %add3A_527, %sub3A_551 : i32
      %mul3A_553 = arith.constant 16 : i32
      %mul3A_554 = arith.muli %sub3A_552, %mul3A_553 : i32
      %add3A_555 = arith.addi %mul3A_2, %mul3A_554 : i32
      %dma_start3A_556 = arith.constant 0 : i32
      %dma_start3A_557 = tpu.memref_slice %arg4[%add3A_555, %dma_start3A_556] : memref<32768x1152xf32, #tpu.memory_space<hbm>> -> memref<16x1152xf32, #tpu.memory_space<hbm>>
      %dma_start3A_558 = arith.constant 0 : i32
      %dma_start3A_559 = tpu.memref_slice %arg4[%add3A_555, %dma_start3A_558] : memref<32768x1152xf32, #tpu.memory_space<hbm>> -> memref<16x1152xf32, #tpu.memory_space<hbm>>
      tpu.enqueue_dma source(%arg8 : memref<16x1152xf32, #tpu.memory_space<vmem>>) target(%dma_start3A_559 : memref<16x1152xf32, #tpu.memory_space<hbm>>) target_semaphore(%arg20 : memref<!tpu.dma_semaphore, #tpu.memory_space<semaphore_mem>>)
      %add3A_560 = arith.constant 4 : i32
      %add3A_561 = arith.addi %mul3A_424, %add3A_560 : i32
      %add3A_562 = arith.constant 3 : i32
      %add3A_563 = arith.addi %add3A_561, %add3A_562 : i32
      %sub3A_564 = arith.constant 6 : i32
      %sub3A_565 = arith.subi %add3A_563, %sub3A_564 : i32
      %mul3A_566 = arith.constant 16 : i32
      %mul3A_567 = arith.muli %sub3A_565, %mul3A_566 : i32
      %add3A_568 = arith.addi %mul3A_2, %mul3A_567 : i32
      %dma_wait3A_569 = arith.constant 0 : i32
      %dma_wait3A_570 = tpu.memref_slice %arg4[%add3A_568, %dma_wait3A_569] : memref<32768x1152xf32, #tpu.memory_space<hbm>> -> memref<16x1152xf32, #tpu.memory_space<hbm>>
      %dma_wait3A_571 = arith.constant 0 : i32
      %dma_wait3A_572 = tpu.memref_slice %arg4[%add3A_568, %dma_wait3A_571] : memref<32768x1152xf32, #tpu.memory_space<hbm>> -> memref<16x1152xf32, #tpu.memory_space<hbm>>
      tpu.wait_dma2 semaphore(%arg19 : memref<!tpu.dma_semaphore, #tpu.memory_space<semaphore_mem>>) src(%arg7 : memref<16x1152xf32, #tpu.memory_space<vmem>>) dst(%dma_wait3A_572 : memref<16x1152xf32, #tpu.memory_space<hbm>>)
      %dma_start3A_573 = arith.constant 0 : i32
      %dma_start3A_574 = tpu.memref_slice %arg5[%add3A_563, %dma_start3A_573] : memref<64x16xi32, #tpu.memory_space<vmem>> -> memref<1x16xi32, #tpu.memory_space<vmem>>
      %dma_start3A_575 = tpu.memref_squeeze %dma_start3A_574 : memref<1x16xi32, #tpu.memory_space<vmem>> -> memref<16xi32, #tpu.memory_space<vmem>>
      %dma_start3A_576 = arith.constant 0 : i32
      %dma_start3A_577 = arith.constant 0 : i32
      %dma_start3A_578 = tpu.memref_slice %arg3[%dma_start3A_576, %dma_start3A_577] : memref<262144x1152xf32, #tpu.memory_space<hbm>> -> memref<262144x1152xf32, #tpu.memory_space<hbm>>
      tpu.enqueue_indirect_dma source(%dma_start3A_578 : memref<262144x1152xf32, #tpu.memory_space<hbm>>) target(%arg7 : memref<16x1152xf32, #tpu.memory_space<vmem>>) offsets(%dma_start3A_575 : memref<16xi32, #tpu.memory_space<vmem>>) semaphore(%arg13 : memref<!tpu.dma_semaphore, #tpu.memory_space<semaphore_mem>>)
      %dma_wait3A_579 = arith.constant 0 : i32
      %dma_wait3A_580 = tpu.memref_slice %arg5[%add3A_561, %dma_wait3A_579] : memref<64x16xi32, #tpu.memory_space<vmem>> -> memref<1x16xi32, #tpu.memory_space<vmem>>
      %dma_wait3A_581 = tpu.memref_squeeze %dma_wait3A_580 : memref<1x16xi32, #tpu.memory_space<vmem>> -> memref<16xi32, #tpu.memory_space<vmem>>
      %dma_wait3A_582 = arith.constant 0 : i32
      %dma_wait3A_583 = arith.constant 0 : i32
      %dma_wait3A_584 = tpu.memref_slice %arg3[%dma_wait3A_582, %dma_wait3A_583] : memref<262144x1152xf32, #tpu.memory_space<hbm>> -> memref<262144x1152xf32, #tpu.memory_space<hbm>>
      tpu.wait_indirect_dma semaphore(%arg16 : memref<!tpu.dma_semaphore, #tpu.memory_space<semaphore_mem>>) src(%dma_wait3A_584 : memref<262144x1152xf32, #tpu.memory_space<hbm>>) dst(%arg10 : memref<16x1152xf32, #tpu.memory_space<vmem>>)
      %sub3A_585 = arith.constant 1 : i32
      %sub3A_586 = arith.subi %add3A_561, %sub3A_585 : i32
      %mul3A_587 = arith.constant 16 : i32
      %mul3A_588 = arith.muli %sub3A_586, %mul3A_587 : i32
      %add3A_589 = arith.addi %mul3A_2, %mul3A_588 : i32
      %dma_start3A_590 = arith.constant 0 : i32
      %dma_start3A_591 = tpu.memref_slice %arg4[%add3A_589, %dma_start3A_590] : memref<32768x1152xf32, #tpu.memory_space<hbm>> -> memref<16x1152xf32, #tpu.memory_space<hbm>>
      %dma_start3A_592 = arith.constant 0 : i32
      %dma_start3A_593 = tpu.memref_slice %arg4[%add3A_589, %dma_start3A_592] : memref<32768x1152xf32, #tpu.memory_space<hbm>> -> memref<16x1152xf32, #tpu.memory_space<hbm>>
      tpu.enqueue_dma source(%arg9 : memref<16x1152xf32, #tpu.memory_space<vmem>>) target(%dma_start3A_593 : memref<16x1152xf32, #tpu.memory_space<hbm>>) target_semaphore(%arg21 : memref<!tpu.dma_semaphore, #tpu.memory_space<semaphore_mem>>)
      %add3A_594 = arith.constant 5 : i32
      %add3A_595 = arith.addi %mul3A_424, %add3A_594 : i32
      %add3A_596 = arith.constant 3 : i32
      %add3A_597 = arith.addi %add3A_595, %add3A_596 : i32
      %sub3A_598 = arith.constant 6 : i32
      %sub3A_599 = arith.subi %add3A_597, %sub3A_598 : i32
      %mul3A_600 = arith.constant 16 : i32
      %mul3A_601 = arith.muli %sub3A_599, %mul3A_600 : i32
      %add3A_602 = arith.addi %mul3A_2, %mul3A_601 : i32
      %dma_wait3A_603 = arith.constant 0 : i32
      %dma_wait3A_604 = tpu.memref_slice %arg4[%add3A_602, %dma_wait3A_603] : memref<32768x1152xf32, #tpu.memory_space<hbm>> -> memref<16x1152xf32, #tpu.memory_space<hbm>>
      %dma_wait3A_605 = arith.constant 0 : i32
      %dma_wait3A_606 = tpu.memref_slice %arg4[%add3A_602, %dma_wait3A_605] : memref<32768x1152xf32, #tpu.memory_space<hbm>> -> memref<16x1152xf32, #tpu.memory_space<hbm>>
      tpu.wait_dma2 semaphore(%arg20 : memref<!tpu.dma_semaphore, #tpu.memory_space<semaphore_mem>>) src(%arg8 : memref<16x1152xf32, #tpu.memory_space<vmem>>) dst(%dma_wait3A_606 : memref<16x1152xf32, #tpu.memory_space<hbm>>)
      %dma_start3A_607 = arith.constant 0 : i32
      %dma_start3A_608 = tpu.memref_slice %arg5[%add3A_597, %dma_start3A_607] : memref<64x16xi32, #tpu.memory_space<vmem>> -> memref<1x16xi32, #tpu.memory_space<vmem>>
      %dma_start3A_609 = tpu.memref_squeeze %dma_start3A_608 : memref<1x16xi32, #tpu.memory_space<vmem>> -> memref<16xi32, #tpu.memory_space<vmem>>
      %dma_start3A_610 = arith.constant 0 : i32
      %dma_start3A_611 = arith.constant 0 : i32
      %dma_start3A_612 = tpu.memref_slice %arg3[%dma_start3A_610, %dma_start3A_611] : memref<262144x1152xf32, #tpu.memory_space<hbm>> -> memref<262144x1152xf32, #tpu.memory_space<hbm>>
      tpu.enqueue_indirect_dma source(%dma_start3A_612 : memref<262144x1152xf32, #tpu.memory_space<hbm>>) target(%arg8 : memref<16x1152xf32, #tpu.memory_space<vmem>>) offsets(%dma_start3A_609 : memref<16xi32, #tpu.memory_space<vmem>>) semaphore(%arg14 : memref<!tpu.dma_semaphore, #tpu.memory_space<semaphore_mem>>)
      %dma_wait3A_613 = arith.constant 0 : i32
      %dma_wait3A_614 = tpu.memref_slice %arg5[%add3A_595, %dma_wait3A_613] : memref<64x16xi32, #tpu.memory_space<vmem>> -> memref<1x16xi32, #tpu.memory_space<vmem>>
      %dma_wait3A_615 = tpu.memref_squeeze %dma_wait3A_614 : memref<1x16xi32, #tpu.memory_space<vmem>> -> memref<16xi32, #tpu.memory_space<vmem>>
      %dma_wait3A_616 = arith.constant 0 : i32
      %dma_wait3A_617 = arith.constant 0 : i32
      %dma_wait3A_618 = tpu.memref_slice %arg3[%dma_wait3A_616, %dma_wait3A_617] : memref<262144x1152xf32, #tpu.memory_space<hbm>> -> memref<262144x1152xf32, #tpu.memory_space<hbm>>
      tpu.wait_indirect_dma semaphore(%arg17 : memref<!tpu.dma_semaphore, #tpu.memory_space<semaphore_mem>>) src(%dma_wait3A_618 : memref<262144x1152xf32, #tpu.memory_space<hbm>>) dst(%arg11 : memref<16x1152xf32, #tpu.memory_space<vmem>>)
      %sub3A_619 = arith.constant 1 : i32
      %sub3A_620 = arith.subi %add3A_595, %sub3A_619 : i32
      %mul3A_621 = arith.constant 16 : i32
      %mul3A_622 = arith.muli %sub3A_620, %mul3A_621 : i32
      %add3A_623 = arith.addi %mul3A_2, %mul3A_622 : i32
      %dma_start3A_624 = arith.constant 0 : i32
      %dma_start3A_625 = tpu.memref_slice %arg4[%add3A_623, %dma_start3A_624] : memref<32768x1152xf32, #tpu.memory_space<hbm>> -> memref<16x1152xf32, #tpu.memory_space<hbm>>
      %dma_start3A_626 = arith.constant 0 : i32
      %dma_start3A_627 = tpu.memref_slice %arg4[%add3A_623, %dma_start3A_626] : memref<32768x1152xf32, #tpu.memory_space<hbm>> -> memref<16x1152xf32, #tpu.memory_space<hbm>>
      tpu.enqueue_dma source(%arg10 : memref<16x1152xf32, #tpu.memory_space<vmem>>) target(%dma_start3A_627 : memref<16x1152xf32, #tpu.memory_space<hbm>>) target_semaphore(%arg22 : memref<!tpu.dma_semaphore, #tpu.memory_space<semaphore_mem>>)
    }
    %scan3A_158 = arith.constant 8 : i32
    %add3A_159 = arith.constant 816 : i32
    %add3A_160 = arith.addi %mul3A_2, %add3A_159 : i32
    %dma_wait3A_161 = arith.constant 0 : i32
    %dma_wait3A_162 = tpu.memref_slice %arg4[%add3A_160, %dma_wait3A_161] : memref<32768x1152xf32, #tpu.memory_space<hbm>> -> memref<16x1152xf32, #tpu.memory_space<hbm>>
    %dma_wait3A_163 = arith.constant 0 : i32
    %dma_wait3A_164 = tpu.memref_slice %arg4[%add3A_160, %dma_wait3A_163] : memref<32768x1152xf32, #tpu.memory_space<hbm>> -> memref<16x1152xf32, #tpu.memory_space<hbm>>
    tpu.wait_dma2 semaphore(%arg21 : memref<!tpu.dma_semaphore, #tpu.memory_space<semaphore_mem>>) src(%arg9 : memref<16x1152xf32, #tpu.memory_space<vmem>>) dst(%dma_wait3A_164 : memref<16x1152xf32, #tpu.memory_space<hbm>>)
    %dma_start3A_165 = arith.constant 57 : i32
    %dma_start3A_166 = arith.constant 0 : i32
    %dma_start3A_167 = tpu.memref_slice %arg5[%dma_start3A_165, %dma_start3A_166] : memref<64x16xi32, #tpu.memory_space<vmem>> -> memref<1x16xi32, #tpu.memory_space<vmem>>
    %dma_start3A_168 = tpu.memref_squeeze %dma_start3A_167 : memref<1x16xi32, #tpu.memory_space<vmem>> -> memref<16xi32, #tpu.memory_space<vmem>>
    %dma_start3A_169 = arith.constant 0 : i32
    %dma_start3A_170 = arith.constant 0 : i32
    %dma_start3A_171 = tpu.memref_slice %arg3[%dma_start3A_169, %dma_start3A_170] : memref<262144x1152xf32, #tpu.memory_space<hbm>> -> memref<262144x1152xf32, #tpu.memory_space<hbm>>
    tpu.enqueue_indirect_dma source(%dma_start3A_171 : memref<262144x1152xf32, #tpu.memory_space<hbm>>) target(%arg9 : memref<16x1152xf32, #tpu.memory_space<vmem>>) offsets(%dma_start3A_168 : memref<16xi32, #tpu.memory_space<vmem>>) semaphore(%arg15 : memref<!tpu.dma_semaphore, #tpu.memory_space<semaphore_mem>>)
    %dma_wait3A_172 = arith.constant 54 : i32
    %dma_wait3A_173 = arith.constant 0 : i32
    %dma_wait3A_174 = tpu.memref_slice %arg5[%dma_wait3A_172, %dma_wait3A_173] : memref<64x16xi32, #tpu.memory_space<vmem>> -> memref<1x16xi32, #tpu.memory_space<vmem>>
    %dma_wait3A_175 = tpu.memref_squeeze %dma_wait3A_174 : memref<1x16xi32, #tpu.memory_space<vmem>> -> memref<16xi32, #tpu.memory_space<vmem>>
    %dma_wait3A_176 = arith.constant 0 : i32
    %dma_wait3A_177 = arith.constant 0 : i32
    %dma_wait3A_178 = tpu.memref_slice %arg3[%dma_wait3A_176, %dma_wait3A_177] : memref<262144x1152xf32, #tpu.memory_space<hbm>> -> memref<262144x1152xf32, #tpu.memory_space<hbm>>
    tpu.wait_indirect_dma semaphore(%arg12 : memref<!tpu.dma_semaphore, #tpu.memory_space<semaphore_mem>>) src(%dma_wait3A_178 : memref<262144x1152xf32, #tpu.memory_space<hbm>>) dst(%arg6 : memref<16x1152xf32, #tpu.memory_space<vmem>>)
    %add3A_179 = arith.constant 848 : i32
    %add3A_180 = arith.addi %mul3A_2, %add3A_179 : i32
    %dma_start3A_181 = arith.constant 0 : i32
    %dma_start3A_182 = tpu.memref_slice %arg4[%add3A_180, %dma_start3A_181] : memref<32768x1152xf32, #tpu.memory_space<hbm>> -> memref<16x1152xf32, #tpu.memory_space<hbm>>
    %dma_start3A_183 = arith.constant 0 : i32
    %dma_start3A_184 = tpu.memref_slice %arg4[%add3A_180, %dma_start3A_183] : memref<32768x1152xf32, #tpu.memory_space<hbm>> -> memref<16x1152xf32, #tpu.memory_space<hbm>>
    tpu.enqueue_dma source(%arg11 : memref<16x1152xf32, #tpu.memory_space<vmem>>) target(%dma_start3A_184 : memref<16x1152xf32, #tpu.memory_space<hbm>>) target_semaphore(%arg23 : memref<!tpu.dma_semaphore, #tpu.memory_space<semaphore_mem>>)
    %add3A_185 = arith.constant 832 : i32
    %add3A_186 = arith.addi %mul3A_2, %add3A_185 : i32
    %dma_wait3A_187 = arith.constant 0 : i32
    %dma_wait3A_188 = tpu.memref_slice %arg4[%add3A_186, %dma_wait3A_187] : memref<32768x1152xf32, #tpu.memory_space<hbm>> -> memref<16x1152xf32, #tpu.memory_space<hbm>>
    %dma_wait3A_189 = arith.constant 0 : i32
    %dma_wait3A_190 = tpu.memref_slice %arg4[%add3A_186, %dma_wait3A_189] : memref<32768x1152xf32, #tpu.memory_space<hbm>> -> memref<16x1152xf32, #tpu.memory_space<hbm>>
    tpu.wait_dma2 semaphore(%arg22 : memref<!tpu.dma_semaphore, #tpu.memory_space<semaphore_mem>>) src(%arg10 : memref<16x1152xf32, #tpu.memory_space<vmem>>) dst(%dma_wait3A_190 : memref<16x1152xf32, #tpu.memory_space<hbm>>)
    %dma_start3A_191 = arith.constant 58 : i32
    %dma_start3A_192 = arith.constant 0 : i32
    %dma_start3A_193 = tpu.memref_slice %arg5[%dma_start3A_191, %dma_start3A_192] : memref<64x16xi32, #tpu.memory_space<vmem>> -> memref<1x16xi32, #tpu.memory_space<vmem>>
    %dma_start3A_194 = tpu.memref_squeeze %dma_start3A_193 : memref<1x16xi32, #tpu.memory_space<vmem>> -> memref<16xi32, #tpu.memory_space<vmem>>
    %dma_start3A_195 = arith.constant 0 : i32
    %dma_start3A_196 = arith.constant 0 : i32
    %dma_start3A_197 = tpu.memref_slice %arg3[%dma_start3A_195, %dma_start3A_196] : memref<262144x1152xf32, #tpu.memory_space<hbm>> -> memref<262144x1152xf32, #tpu.memory_space<hbm>>
    tpu.enqueue_indirect_dma source(%dma_start3A_197 : memref<262144x1152xf32, #tpu.memory_space<hbm>>) target(%arg10 : memref<16x1152xf32, #tpu.memory_space<vmem>>) offsets(%dma_start3A_194 : memref<16xi32, #tpu.memory_space<vmem>>) semaphore(%arg16 : memref<!tpu.dma_semaphore, #tpu.memory_space<semaphore_mem>>)
    %dma_wait3A_198 = arith.constant 55 : i32
    %dma_wait3A_199 = arith.constant 0 : i32
    %dma_wait3A_200 = tpu.memref_slice %arg5[%dma_wait3A_198, %dma_wait3A_199] : memref<64x16xi32, #tpu.memory_space<vmem>> -> memref<1x16xi32, #tpu.memory_space<vmem>>
    %dma_wait3A_201 = tpu.memref_squeeze %dma_wait3A_200 : memref<1x16xi32, #tpu.memory_space<vmem>> -> memref<16xi32, #tpu.memory_space<vmem>>
    %dma_wait3A_202 = arith.constant 0 : i32
    %dma_wait3A_203 = arith.constant 0 : i32
    %dma_wait3A_204 = tpu.memref_slice %arg3[%dma_wait3A_202, %dma_wait3A_203] : memref<262144x1152xf32, #tpu.memory_space<hbm>> -> memref<262144x1152xf32, #tpu.memory_space<hbm>>
    tpu.wait_indirect_dma semaphore(%arg13 : memref<!tpu.dma_semaphore, #tpu.memory_space<semaphore_mem>>) src(%dma_wait3A_204 : memref<262144x1152xf32, #tpu.memory_space<hbm>>) dst(%arg7 : memref<16x1152xf32, #tpu.memory_space<vmem>>)
    %add3A_205 = arith.constant 864 : i32
    %add3A_206 = arith.addi %mul3A_2, %add3A_205 : i32
    %dma_start3A_207 = arith.constant 0 : i32
    %dma_start3A_208 = tpu.memref_slice %arg4[%add3A_206, %dma_start3A_207] : memref<32768x1152xf32, #tpu.memory_space<hbm>> -> memref<16x1152xf32, #tpu.memory_space<hbm>>
    %dma_start3A_209 = arith.constant 0 : i32
    %dma_start3A_210 = tpu.memref_slice %arg4[%add3A_206, %dma_start3A_209] : memref<32768x1152xf32, #tpu.memory_space<hbm>> -> memref<16x1152xf32, #tpu.memory_space<hbm>>
    tpu.enqueue_dma source(%arg6 : memref<16x1152xf32, #tpu.memory_space<vmem>>) target(%dma_start3A_210 : memref<16x1152xf32, #tpu.memory_space<hbm>>) target_semaphore(%arg18 : memref<!tpu.dma_semaphore, #tpu.memory_space<semaphore_mem>>)
    %add3A_211 = arith.constant 848 : i32
    %add3A_212 = arith.addi %mul3A_2, %add3A_211 : i32
    %dma_wait3A_213 = arith.constant 0 : i32
    %dma_wait3A_214 = tpu.memref_slice %arg4[%add3A_212, %dma_wait3A_213] : memref<32768x1152xf32, #tpu.memory_space<hbm>> -> memref<16x1152xf32, #tpu.memory_space<hbm>>
    %dma_wait3A_215 = arith.constant 0 : i32
    %dma_wait3A_216 = tpu.memref_slice %arg4[%add3A_212, %dma_wait3A_215] : memref<32768x1152xf32, #tpu.memory_space<hbm>> -> memref<16x1152xf32, #tpu.memory_space<hbm>>
    tpu.wait_dma2 semaphore(%arg23 : memref<!tpu.dma_semaphore, #tpu.memory_space<semaphore_mem>>) src(%arg11 : memref<16x1152xf32, #tpu.memory_space<vmem>>) dst(%dma_wait3A_216 : memref<16x1152xf32, #tpu.memory_space<hbm>>)
    %dma_start3A_217 = arith.constant 59 : i32
    %dma_start3A_218 = arith.constant 0 : i32
    %dma_start3A_219 = tpu.memref_slice %arg5[%dma_start3A_217, %dma_start3A_218] : memref<64x16xi32, #tpu.memory_space<vmem>> -> memref<1x16xi32, #tpu.memory_space<vmem>>
    %dma_start3A_220 = tpu.memref_squeeze %dma_start3A_219 : memref<1x16xi32, #tpu.memory_space<vmem>> -> memref<16xi32, #tpu.memory_space<vmem>>
    %dma_start3A_221 = arith.constant 0 : i32
    %dma_start3A_222 = arith.constant 0 : i32
    %dma_start3A_223 = tpu.memref_slice %arg3[%dma_start3A_221, %dma_start3A_222] : memref<262144x1152xf32, #tpu.memory_space<hbm>> -> memref<262144x1152xf32, #tpu.memory_space<hbm>>
    tpu.enqueue_indirect_dma source(%dma_start3A_223 : memref<262144x1152xf32, #tpu.memory_space<hbm>>) target(%arg11 : memref<16x1152xf32, #tpu.memory_space<vmem>>) offsets(%dma_start3A_220 : memref<16xi32, #tpu.memory_space<vmem>>) semaphore(%arg17 : memref<!tpu.dma_semaphore, #tpu.memory_space<semaphore_mem>>)
    %dma_wait3A_224 = arith.constant 56 : i32
    %dma_wait3A_225 = arith.constant 0 : i32
    %dma_wait3A_226 = tpu.memref_slice %arg5[%dma_wait3A_224, %dma_wait3A_225] : memref<64x16xi32, #tpu.memory_space<vmem>> -> memref<1x16xi32, #tpu.memory_space<vmem>>
    %dma_wait3A_227 = tpu.memref_squeeze %dma_wait3A_226 : memref<1x16xi32, #tpu.memory_space<vmem>> -> memref<16xi32, #tpu.memory_space<vmem>>
    %dma_wait3A_228 = arith.constant 0 : i32
    %dma_wait3A_229 = arith.constant 0 : i32
    %dma_wait3A_230 = tpu.memref_slice %arg3[%dma_wait3A_228, %dma_wait3A_229] : memref<262144x1152xf32, #tpu.memory_space<hbm>> -> memref<262144x1152xf32, #tpu.memory_space<hbm>>
    tpu.wait_indirect_dma semaphore(%arg14 : memref<!tpu.dma_semaphore, #tpu.memory_space<semaphore_mem>>) src(%dma_wait3A_230 : memref<262144x1152xf32, #tpu.memory_space<hbm>>) dst(%arg8 : memref<16x1152xf32, #tpu.memory_space<vmem>>)
    %add3A_231 = arith.constant 880 : i32
    %add3A_232 = arith.addi %mul3A_2, %add3A_231 : i32
    %dma_start3A_233 = arith.constant 0 : i32
    %dma_start3A_234 = tpu.memref_slice %arg4[%add3A_232, %dma_start3A_233] : memref<32768x1152xf32, #tpu.memory_space<hbm>> -> memref<16x1152xf32, #tpu.memory_space<hbm>>
    %dma_start3A_235 = arith.constant 0 : i32
    %dma_start3A_236 = tpu.memref_slice %arg4[%add3A_232, %dma_start3A_235] : memref<32768x1152xf32, #tpu.memory_space<hbm>> -> memref<16x1152xf32, #tpu.memory_space<hbm>>
    tpu.enqueue_dma source(%arg7 : memref<16x1152xf32, #tpu.memory_space<vmem>>) target(%dma_start3A_236 : memref<16x1152xf32, #tpu.memory_space<hbm>>) target_semaphore(%arg19 : memref<!tpu.dma_semaphore, #tpu.memory_space<semaphore_mem>>)
    %add3A_237 = arith.constant 864 : i32
    %add3A_238 = arith.addi %mul3A_2, %add3A_237 : i32
    %dma_wait3A_239 = arith.constant 0 : i32
    %dma_wait3A_240 = tpu.memref_slice %arg4[%add3A_238, %dma_wait3A_239] : memref<32768x1152xf32, #tpu.memory_space<hbm>> -> memref<16x1152xf32, #tpu.memory_space<hbm>>
    %dma_wait3A_241 = arith.constant 0 : i32
    %dma_wait3A_242 = tpu.memref_slice %arg4[%add3A_238, %dma_wait3A_241] : memref<32768x1152xf32, #tpu.memory_space<hbm>> -> memref<16x1152xf32, #tpu.memory_space<hbm>>
    tpu.wait_dma2 semaphore(%arg18 : memref<!tpu.dma_semaphore, #tpu.memory_space<semaphore_mem>>) src(%arg6 : memref<16x1152xf32, #tpu.memory_space<vmem>>) dst(%dma_wait3A_242 : memref<16x1152xf32, #tpu.memory_space<hbm>>)
    %dma_start3A_243 = arith.constant 60 : i32
    %dma_start3A_244 = arith.constant 0 : i32
    %dma_start3A_245 = tpu.memref_slice %arg5[%dma_start3A_243, %dma_start3A_244] : memref<64x16xi32, #tpu.memory_space<vmem>> -> memref<1x16xi32, #tpu.memory_space<vmem>>
    %dma_start3A_246 = tpu.memref_squeeze %dma_start3A_245 : memref<1x16xi32, #tpu.memory_space<vmem>> -> memref<16xi32, #tpu.memory_space<vmem>>
    %dma_start3A_247 = arith.constant 0 : i32
    %dma_start3A_248 = arith.constant 0 : i32
    %dma_start3A_249 = tpu.memref_slice %arg3[%dma_start3A_247, %dma_start3A_248] : memref<262144x1152xf32, #tpu.memory_space<hbm>> -> memref<262144x1152xf32, #tpu.memory_space<hbm>>
    tpu.enqueue_indirect_dma source(%dma_start3A_249 : memref<262144x1152xf32, #tpu.memory_space<hbm>>) target(%arg6 : memref<16x1152xf32, #tpu.memory_space<vmem>>) offsets(%dma_start3A_246 : memref<16xi32, #tpu.memory_space<vmem>>) semaphore(%arg12 : memref<!tpu.dma_semaphore, #tpu.memory_space<semaphore_mem>>)
    %dma_wait3A_250 = arith.constant 57 : i32
    %dma_wait3A_251 = arith.constant 0 : i32
    %dma_wait3A_252 = tpu.memref_slice %arg5[%dma_wait3A_250, %dma_wait3A_251] : memref<64x16xi32, #tpu.memory_space<vmem>> -> memref<1x16xi32, #tpu.memory_space<vmem>>
    %dma_wait3A_253 = tpu.memref_squeeze %dma_wait3A_252 : memref<1x16xi32, #tpu.memory_space<vmem>> -> memref<16xi32, #tpu.memory_space<vmem>>
    %dma_wait3A_254 = arith.constant 0 : i32
    %dma_wait3A_255 = arith.constant 0 : i32
    %dma_wait3A_256 = tpu.memref_slice %arg3[%dma_wait3A_254, %dma_wait3A_255] : memref<262144x1152xf32, #tpu.memory_space<hbm>> -> memref<262144x1152xf32, #tpu.memory_space<hbm>>
    tpu.wait_indirect_dma semaphore(%arg15 : memref<!tpu.dma_semaphore, #tpu.memory_space<semaphore_mem>>) src(%dma_wait3A_256 : memref<262144x1152xf32, #tpu.memory_space<hbm>>) dst(%arg9 : memref<16x1152xf32, #tpu.memory_space<vmem>>)
    %add3A_257 = arith.constant 896 : i32
    %add3A_258 = arith.addi %mul3A_2, %add3A_257 : i32
    %dma_start3A_259 = arith.constant 0 : i32
    %dma_start3A_260 = tpu.memref_slice %arg4[%add3A_258, %dma_start3A_259] : memref<32768x1152xf32, #tpu.memory_space<hbm>> -> memref<16x1152xf32, #tpu.memory_space<hbm>>
    %dma_start3A_261 = arith.constant 0 : i32
    %dma_start3A_262 = tpu.memref_slice %arg4[%add3A_258, %dma_start3A_261] : memref<32768x1152xf32, #tpu.memory_space<hbm>> -> memref<16x1152xf32, #tpu.memory_space<hbm>>
    tpu.enqueue_dma source(%arg8 : memref<16x1152xf32, #tpu.memory_space<vmem>>) target(%dma_start3A_262 : memref<16x1152xf32, #tpu.memory_space<hbm>>) target_semaphore(%arg20 : memref<!tpu.dma_semaphore, #tpu.memory_space<semaphore_mem>>)
    %add3A_263 = arith.constant 880 : i32
    %add3A_264 = arith.addi %mul3A_2, %add3A_263 : i32
    %dma_wait3A_265 = arith.constant 0 : i32
    %dma_wait3A_266 = tpu.memref_slice %arg4[%add3A_264, %dma_wait3A_265] : memref<32768x1152xf32, #tpu.memory_space<hbm>> -> memref<16x1152xf32, #tpu.memory_space<hbm>>
    %dma_wait3A_267 = arith.constant 0 : i32
    %dma_wait3A_268 = tpu.memref_slice %arg4[%add3A_264, %dma_wait3A_267] : memref<32768x1152xf32, #tpu.memory_space<hbm>> -> memref<16x1152xf32, #tpu.memory_space<hbm>>
    tpu.wait_dma2 semaphore(%arg19 : memref<!tpu.dma_semaphore, #tpu.memory_space<semaphore_mem>>) src(%arg7 : memref<16x1152xf32, #tpu.memory_space<vmem>>) dst(%dma_wait3A_268 : memref<16x1152xf32, #tpu.memory_space<hbm>>)
    %dma_start3A_269 = arith.constant 61 : i32
    %dma_start3A_270 = arith.constant 0 : i32
    %dma_start3A_271 = tpu.memref_slice %arg5[%dma_start3A_269, %dma_start3A_270] : memref<64x16xi32, #tpu.memory_space<vmem>> -> memref<1x16xi32, #tpu.memory_space<vmem>>
    %dma_start3A_272 = tpu.memref_squeeze %dma_start3A_271 : memref<1x16xi32, #tpu.memory_space<vmem>> -> memref<16xi32, #tpu.memory_space<vmem>>
    %dma_start3A_273 = arith.constant 0 : i32
    %dma_start3A_274 = arith.constant 0 : i32
    %dma_start3A_275 = tpu.memref_slice %arg3[%dma_start3A_273, %dma_start3A_274] : memref<262144x1152xf32, #tpu.memory_space<hbm>> -> memref<262144x1152xf32, #tpu.memory_space<hbm>>
    tpu.enqueue_indirect_dma source(%dma_start3A_275 : memref<262144x1152xf32, #tpu.memory_space<hbm>>) target(%arg7 : memref<16x1152xf32, #tpu.memory_space<vmem>>) offsets(%dma_start3A_272 : memref<16xi32, #tpu.memory_space<vmem>>) semaphore(%arg13 : memref<!tpu.dma_semaphore, #tpu.memory_space<semaphore_mem>>)
    %dma_wait3A_276 = arith.constant 58 : i32
    %dma_wait3A_277 = arith.constant 0 : i32
    %dma_wait3A_278 = tpu.memref_slice %arg5[%dma_wait3A_276, %dma_wait3A_277] : memref<64x16xi32, #tpu.memory_space<vmem>> -> memref<1x16xi32, #tpu.memory_space<vmem>>
    %dma_wait3A_279 = tpu.memref_squeeze %dma_wait3A_278 : memref<1x16xi32, #tpu.memory_space<vmem>> -> memref<16xi32, #tpu.memory_space<vmem>>
    %dma_wait3A_280 = arith.constant 0 : i32
    %dma_wait3A_281 = arith.constant 0 : i32
    %dma_wait3A_282 = tpu.memref_slice %arg3[%dma_wait3A_280, %dma_wait3A_281] : memref<262144x1152xf32, #tpu.memory_space<hbm>> -> memref<262144x1152xf32, #tpu.memory_space<hbm>>
    tpu.wait_indirect_dma semaphore(%arg16 : memref<!tpu.dma_semaphore, #tpu.memory_space<semaphore_mem>>) src(%dma_wait3A_282 : memref<262144x1152xf32, #tpu.memory_space<hbm>>) dst(%arg10 : memref<16x1152xf32, #tpu.memory_space<vmem>>)
    %add3A_283 = arith.constant 912 : i32
    %add3A_284 = arith.addi %mul3A_2, %add3A_283 : i32
    %dma_start3A_285 = arith.constant 0 : i32
    %dma_start3A_286 = tpu.memref_slice %arg4[%add3A_284, %dma_start3A_285] : memref<32768x1152xf32, #tpu.memory_space<hbm>> -> memref<16x1152xf32, #tpu.memory_space<hbm>>
    %dma_start3A_287 = arith.constant 0 : i32
    %dma_start3A_288 = tpu.memref_slice %arg4[%add3A_284, %dma_start3A_287] : memref<32768x1152xf32, #tpu.memory_space<hbm>> -> memref<16x1152xf32, #tpu.memory_space<hbm>>
    tpu.enqueue_dma source(%arg9 : memref<16x1152xf32, #tpu.memory_space<vmem>>) target(%dma_start3A_288 : memref<16x1152xf32, #tpu.memory_space<hbm>>) target_semaphore(%arg21 : memref<!tpu.dma_semaphore, #tpu.memory_space<semaphore_mem>>)
    %add3A_289 = arith.constant 896 : i32
    %add3A_290 = arith.addi %mul3A_2, %add3A_289 : i32
    %dma_wait3A_291 = arith.constant 0 : i32
    %dma_wait3A_292 = tpu.memref_slice %arg4[%add3A_290, %dma_wait3A_291] : memref<32768x1152xf32, #tpu.memory_space<hbm>> -> memref<16x1152xf32, #tpu.memory_space<hbm>>
    %dma_wait3A_293 = arith.constant 0 : i32
    %dma_wait3A_294 = tpu.memref_slice %arg4[%add3A_290, %dma_wait3A_293] : memref<32768x1152xf32, #tpu.memory_space<hbm>> -> memref<16x1152xf32, #tpu.memory_space<hbm>>
    tpu.wait_dma2 semaphore(%arg20 : memref<!tpu.dma_semaphore, #tpu.memory_space<semaphore_mem>>) src(%arg8 : memref<16x1152xf32, #tpu.memory_space<vmem>>) dst(%dma_wait3A_294 : memref<16x1152xf32, #tpu.memory_space<hbm>>)
    %dma_start3A_295 = arith.constant 62 : i32
    %dma_start3A_296 = arith.constant 0 : i32
    %dma_start3A_297 = tpu.memref_slice %arg5[%dma_start3A_295, %dma_start3A_296] : memref<64x16xi32, #tpu.memory_space<vmem>> -> memref<1x16xi32, #tpu.memory_space<vmem>>
    %dma_start3A_298 = tpu.memref_squeeze %dma_start3A_297 : memref<1x16xi32, #tpu.memory_space<vmem>> -> memref<16xi32, #tpu.memory_space<vmem>>
    %dma_start3A_299 = arith.constant 0 : i32
    %dma_start3A_300 = arith.constant 0 : i32
    %dma_start3A_301 = tpu.memref_slice %arg3[%dma_start3A_299, %dma_start3A_300] : memref<262144x1152xf32, #tpu.memory_space<hbm>> -> memref<262144x1152xf32, #tpu.memory_space<hbm>>
    tpu.enqueue_indirect_dma source(%dma_start3A_301 : memref<262144x1152xf32, #tpu.memory_space<hbm>>) target(%arg8 : memref<16x1152xf32, #tpu.memory_space<vmem>>) offsets(%dma_start3A_298 : memref<16xi32, #tpu.memory_space<vmem>>) semaphore(%arg14 : memref<!tpu.dma_semaphore, #tpu.memory_space<semaphore_mem>>)
    %dma_wait3A_302 = arith.constant 59 : i32
    %dma_wait3A_303 = arith.constant 0 : i32
    %dma_wait3A_304 = tpu.memref_slice %arg5[%dma_wait3A_302, %dma_wait3A_303] : memref<64x16xi32, #tpu.memory_space<vmem>> -> memref<1x16xi32, #tpu.memory_space<vmem>>
    %dma_wait3A_305 = tpu.memref_squeeze %dma_wait3A_304 : memref<1x16xi32, #tpu.memory_space<vmem>> -> memref<16xi32, #tpu.memory_space<vmem>>
    %dma_wait3A_306 = arith.constant 0 : i32
    %dma_wait3A_307 = arith.constant 0 : i32
    %dma_wait3A_308 = tpu.memref_slice %arg3[%dma_wait3A_306, %dma_wait3A_307] : memref<262144x1152xf32, #tpu.memory_space<hbm>> -> memref<262144x1152xf32, #tpu.memory_space<hbm>>
    tpu.wait_indirect_dma semaphore(%arg17 : memref<!tpu.dma_semaphore, #tpu.memory_space<semaphore_mem>>) src(%dma_wait3A_308 : memref<262144x1152xf32, #tpu.memory_space<hbm>>) dst(%arg11 : memref<16x1152xf32, #tpu.memory_space<vmem>>)
    %add3A_309 = arith.constant 928 : i32
    %add3A_310 = arith.addi %mul3A_2, %add3A_309 : i32
    %dma_start3A_311 = arith.constant 0 : i32
    %dma_start3A_312 = tpu.memref_slice %arg4[%add3A_310, %dma_start3A_311] : memref<32768x1152xf32, #tpu.memory_space<hbm>> -> memref<16x1152xf32, #tpu.memory_space<hbm>>
    %dma_start3A_313 = arith.constant 0 : i32
    %dma_start3A_314 = tpu.memref_slice %arg4[%add3A_310, %dma_start3A_313] : memref<32768x1152xf32, #tpu.memory_space<hbm>> -> memref<16x1152xf32, #tpu.memory_space<hbm>>
    tpu.enqueue_dma source(%arg10 : memref<16x1152xf32, #tpu.memory_space<vmem>>) target(%dma_start3A_314 : memref<16x1152xf32, #tpu.memory_space<hbm>>) target_semaphore(%arg22 : memref<!tpu.dma_semaphore, #tpu.memory_space<semaphore_mem>>)
    %add3A_315 = arith.constant 912 : i32
    %add3A_316 = arith.addi %mul3A_2, %add3A_315 : i32
    %dma_wait3A_317 = arith.constant 0 : i32
    %dma_wait3A_318 = tpu.memref_slice %arg4[%add3A_316, %dma_wait3A_317] : memref<32768x1152xf32, #tpu.memory_space<hbm>> -> memref<16x1152xf32, #tpu.memory_space<hbm>>
    %dma_wait3A_319 = arith.constant 0 : i32
    %dma_wait3A_320 = tpu.memref_slice %arg4[%add3A_316, %dma_wait3A_319] : memref<32768x1152xf32, #tpu.memory_space<hbm>> -> memref<16x1152xf32, #tpu.memory_space<hbm>>
    tpu.wait_dma2 semaphore(%arg21 : memref<!tpu.dma_semaphore, #tpu.memory_space<semaphore_mem>>) src(%arg9 : memref<16x1152xf32, #tpu.memory_space<vmem>>) dst(%dma_wait3A_320 : memref<16x1152xf32, #tpu.memory_space<hbm>>)
    %dma_start3A_321 = arith.constant 63 : i32
    %dma_start3A_322 = arith.constant 0 : i32
    %dma_start3A_323 = tpu.memref_slice %arg5[%dma_start3A_321, %dma_start3A_322] : memref<64x16xi32, #tpu.memory_space<vmem>> -> memref<1x16xi32, #tpu.memory_space<vmem>>
    %dma_start3A_324 = tpu.memref_squeeze %dma_start3A_323 : memref<1x16xi32, #tpu.memory_space<vmem>> -> memref<16xi32, #tpu.memory_space<vmem>>
    %dma_start3A_325 = arith.constant 0 : i32
    %dma_start3A_326 = arith.constant 0 : i32
    %dma_start3A_327 = tpu.memref_slice %arg3[%dma_start3A_325, %dma_start3A_326] : memref<262144x1152xf32, #tpu.memory_space<hbm>> -> memref<262144x1152xf32, #tpu.memory_space<hbm>>
    tpu.enqueue_indirect_dma source(%dma_start3A_327 : memref<262144x1152xf32, #tpu.memory_space<hbm>>) target(%arg9 : memref<16x1152xf32, #tpu.memory_space<vmem>>) offsets(%dma_start3A_324 : memref<16xi32, #tpu.memory_space<vmem>>) semaphore(%arg15 : memref<!tpu.dma_semaphore, #tpu.memory_space<semaphore_mem>>)
    %dma_wait3A_328 = arith.constant 60 : i32
    %dma_wait3A_329 = arith.constant 0 : i32
    %dma_wait3A_330 = tpu.memref_slice %arg5[%dma_wait3A_328, %dma_wait3A_329] : memref<64x16xi32, #tpu.memory_space<vmem>> -> memref<1x16xi32, #tpu.memory_space<vmem>>
    %dma_wait3A_331 = tpu.memref_squeeze %dma_wait3A_330 : memref<1x16xi32, #tpu.memory_space<vmem>> -> memref<16xi32, #tpu.memory_space<vmem>>
    %dma_wait3A_332 = arith.constant 0 : i32
    %dma_wait3A_333 = arith.constant 0 : i32
    %dma_wait3A_334 = tpu.memref_slice %arg3[%dma_wait3A_332, %dma_wait3A_333] : memref<262144x1152xf32, #tpu.memory_space<hbm>> -> memref<262144x1152xf32, #tpu.memory_space<hbm>>
    tpu.wait_indirect_dma semaphore(%arg12 : memref<!tpu.dma_semaphore, #tpu.memory_space<semaphore_mem>>) src(%dma_wait3A_334 : memref<262144x1152xf32, #tpu.memory_space<hbm>>) dst(%arg6 : memref<16x1152xf32, #tpu.memory_space<vmem>>)
    %add3A_335 = arith.constant 944 : i32
    %add3A_336 = arith.addi %mul3A_2, %add3A_335 : i32
    %dma_start3A_337 = arith.constant 0 : i32
    %dma_start3A_338 = tpu.memref_slice %arg4[%add3A_336, %dma_start3A_337] : memref<32768x1152xf32, #tpu.memory_space<hbm>> -> memref<16x1152xf32, #tpu.memory_space<hbm>>
    %dma_start3A_339 = arith.constant 0 : i32
    %dma_start3A_340 = tpu.memref_slice %arg4[%add3A_336, %dma_start3A_339] : memref<32768x1152xf32, #tpu.memory_space<hbm>> -> memref<16x1152xf32, #tpu.memory_space<hbm>>
    tpu.enqueue_dma source(%arg11 : memref<16x1152xf32, #tpu.memory_space<vmem>>) target(%dma_start3A_340 : memref<16x1152xf32, #tpu.memory_space<hbm>>) target_semaphore(%arg23 : memref<!tpu.dma_semaphore, #tpu.memory_space<semaphore_mem>>)
    %dma_wait3A_341 = arith.constant 61 : i32
    %dma_wait3A_342 = arith.constant 0 : i32
    %dma_wait3A_343 = tpu.memref_slice %arg5[%dma_wait3A_341, %dma_wait3A_342] : memref<64x16xi32, #tpu.memory_space<vmem>> -> memref<1x16xi32, #tpu.memory_space<vmem>>
    %dma_wait3A_344 = tpu.memref_squeeze %dma_wait3A_343 : memref<1x16xi32, #tpu.memory_space<vmem>> -> memref<16xi32, #tpu.memory_space<vmem>>
    %dma_wait3A_345 = arith.constant 0 : i32
    %dma_wait3A_346 = arith.constant 0 : i32
    %dma_wait3A_347 = tpu.memref_slice %arg3[%dma_wait3A_345, %dma_wait3A_346] : memref<262144x1152xf32, #tpu.memory_space<hbm>> -> memref<262144x1152xf32, #tpu.memory_space<hbm>>
    tpu.wait_indirect_dma semaphore(%arg13 : memref<!tpu.dma_semaphore, #tpu.memory_space<semaphore_mem>>) src(%dma_wait3A_347 : memref<262144x1152xf32, #tpu.memory_space<hbm>>) dst(%arg7 : memref<16x1152xf32, #tpu.memory_space<vmem>>)
    %add3A_348 = arith.constant 960 : i32
    %add3A_349 = arith.addi %mul3A_2, %add3A_348 : i32
    %dma_start3A_350 = arith.constant 0 : i32
    %dma_start3A_351 = tpu.memref_slice %arg4[%add3A_349, %dma_start3A_350] : memref<32768x1152xf32, #tpu.memory_space<hbm>> -> memref<16x1152xf32, #tpu.memory_space<hbm>>
    %dma_start3A_352 = arith.constant 0 : i32
    %dma_start3A_353 = tpu.memref_slice %arg4[%add3A_349, %dma_start3A_352] : memref<32768x1152xf32, #tpu.memory_space<hbm>> -> memref<16x1152xf32, #tpu.memory_space<hbm>>
    tpu.enqueue_dma source(%arg6 : memref<16x1152xf32, #tpu.memory_space<vmem>>) target(%dma_start3A_353 : memref<16x1152xf32, #tpu.memory_space<hbm>>) target_semaphore(%arg18 : memref<!tpu.dma_semaphore, #tpu.memory_space<semaphore_mem>>)
    %dma_wait3A_354 = arith.constant 62 : i32
    %dma_wait3A_355 = arith.constant 0 : i32
    %dma_wait3A_356 = tpu.memref_slice %arg5[%dma_wait3A_354, %dma_wait3A_355] : memref<64x16xi32, #tpu.memory_space<vmem>> -> memref<1x16xi32, #tpu.memory_space<vmem>>
    %dma_wait3A_357 = tpu.memref_squeeze %dma_wait3A_356 : memref<1x16xi32, #tpu.memory_space<vmem>> -> memref<16xi32, #tpu.memory_space<vmem>>
    %dma_wait3A_358 = arith.constant 0 : i32
    %dma_wait3A_359 = arith.constant 0 : i32
    %dma_wait3A_360 = tpu.memref_slice %arg3[%dma_wait3A_358, %dma_wait3A_359] : memref<262144x1152xf32, #tpu.memory_space<hbm>> -> memref<262144x1152xf32, #tpu.memory_space<hbm>>
    tpu.wait_indirect_dma semaphore(%arg14 : memref<!tpu.dma_semaphore, #tpu.memory_space<semaphore_mem>>) src(%dma_wait3A_360 : memref<262144x1152xf32, #tpu.memory_space<hbm>>) dst(%arg8 : memref<16x1152xf32, #tpu.memory_space<vmem>>)
    %add3A_361 = arith.constant 976 : i32
    %add3A_362 = arith.addi %mul3A_2, %add3A_361 : i32
    %dma_start3A_363 = arith.constant 0 : i32
    %dma_start3A_364 = tpu.memref_slice %arg4[%add3A_362, %dma_start3A_363] : memref<32768x1152xf32, #tpu.memory_space<hbm>> -> memref<16x1152xf32, #tpu.memory_space<hbm>>
    %dma_start3A_365 = arith.constant 0 : i32
    %dma_start3A_366 = tpu.memref_slice %arg4[%add3A_362, %dma_start3A_365] : memref<32768x1152xf32, #tpu.memory_space<hbm>> -> memref<16x1152xf32, #tpu.memory_space<hbm>>
    tpu.enqueue_dma source(%arg7 : memref<16x1152xf32, #tpu.memory_space<vmem>>) target(%dma_start3A_366 : memref<16x1152xf32, #tpu.memory_space<hbm>>) target_semaphore(%arg19 : memref<!tpu.dma_semaphore, #tpu.memory_space<semaphore_mem>>)
    %dma_wait3A_367 = arith.constant 63 : i32
    %dma_wait3A_368 = arith.constant 0 : i32
    %dma_wait3A_369 = tpu.memref_slice %arg5[%dma_wait3A_367, %dma_wait3A_368] : memref<64x16xi32, #tpu.memory_space<vmem>> -> memref<1x16xi32, #tpu.memory_space<vmem>>
    %dma_wait3A_370 = tpu.memref_squeeze %dma_wait3A_369 : memref<1x16xi32, #tpu.memory_space<vmem>> -> memref<16xi32, #tpu.memory_space<vmem>>
    %dma_wait3A_371 = arith.constant 0 : i32
    %dma_wait3A_372 = arith.constant 0 : i32
    %dma_wait3A_373 = tpu.memref_slice %arg3[%dma_wait3A_371, %dma_wait3A_372] : memref<262144x1152xf32, #tpu.memory_space<hbm>> -> memref<262144x1152xf32, #tpu.memory_space<hbm>>
    tpu.wait_indirect_dma semaphore(%arg15 : memref<!tpu.dma_semaphore, #tpu.memory_space<semaphore_mem>>) src(%dma_wait3A_373 : memref<262144x1152xf32, #tpu.memory_space<hbm>>) dst(%arg9 : memref<16x1152xf32, #tpu.memory_space<vmem>>)
    %add3A_374 = arith.constant 992 : i32
    %add3A_375 = arith.addi %mul3A_2, %add3A_374 : i32
    %dma_start3A_376 = arith.constant 0 : i32
    %dma_start3A_377 = tpu.memref_slice %arg4[%add3A_375, %dma_start3A_376] : memref<32768x1152xf32, #tpu.memory_space<hbm>> -> memref<16x1152xf32, #tpu.memory_space<hbm>>
    %dma_start3A_378 = arith.constant 0 : i32
    %dma_start3A_379 = tpu.memref_slice %arg4[%add3A_375, %dma_start3A_378] : memref<32768x1152xf32, #tpu.memory_space<hbm>> -> memref<16x1152xf32, #tpu.memory_space<hbm>>
    tpu.enqueue_dma source(%arg8 : memref<16x1152xf32, #tpu.memory_space<vmem>>) target(%dma_start3A_379 : memref<16x1152xf32, #tpu.memory_space<hbm>>) target_semaphore(%arg20 : memref<!tpu.dma_semaphore, #tpu.memory_space<semaphore_mem>>)
    %add3A_380 = arith.constant 1008 : i32
    %add3A_381 = arith.addi %mul3A_2, %add3A_380 : i32
    %dma_start3A_382 = arith.constant 0 : i32
    %dma_start3A_383 = tpu.memref_slice %arg4[%add3A_381, %dma_start3A_382] : memref<32768x1152xf32, #tpu.memory_space<hbm>> -> memref<16x1152xf32, #tpu.memory_space<hbm>>
    %dma_start3A_384 = arith.constant 0 : i32
    %dma_start3A_385 = tpu.memref_slice %arg4[%add3A_381, %dma_start3A_384] : memref<32768x1152xf32, #tpu.memory_space<hbm>> -> memref<16x1152xf32, #tpu.memory_space<hbm>>
    tpu.enqueue_dma source(%arg9 : memref<16x1152xf32, #tpu.memory_space<vmem>>) target(%dma_start3A_385 : memref<16x1152xf32, #tpu.memory_space<hbm>>) target_semaphore(%arg21 : memref<!tpu.dma_semaphore, #tpu.memory_space<semaphore_mem>>)
    %add3A_386 = arith.constant 928 : i32
    %add3A_387 = arith.addi %mul3A_2, %add3A_386 : i32
    %dma_wait3A_388 = arith.constant 0 : i32
    %dma_wait3A_389 = tpu.memref_slice %arg4[%add3A_387, %dma_wait3A_388] : memref<32768x1152xf32, #tpu.memory_space<hbm>> -> memref<16x1152xf32, #tpu.memory_space<hbm>>
    %dma_wait3A_390 = arith.constant 0 : i32
    %dma_wait3A_391 = tpu.memref_slice %arg4[%add3A_387, %dma_wait3A_390] : memref<32768x1152xf32, #tpu.memory_space<hbm>> -> memref<16x1152xf32, #tpu.memory_space<hbm>>
    tpu.wait_dma2 semaphore(%arg22 : memref<!tpu.dma_semaphore, #tpu.memory_space<semaphore_mem>>) src(%arg10 : memref<16x1152xf32, #tpu.memory_space<vmem>>) dst(%dma_wait3A_391 : memref<16x1152xf32, #tpu.memory_space<hbm>>)
    %add3A_392 = arith.constant 944 : i32
    %add3A_393 = arith.addi %mul3A_2, %add3A_392 : i32
    %dma_wait3A_394 = arith.constant 0 : i32
    %dma_wait3A_395 = tpu.memref_slice %arg4[%add3A_393, %dma_wait3A_394] : memref<32768x1152xf32, #tpu.memory_space<hbm>> -> memref<16x1152xf32, #tpu.memory_space<hbm>>
    %dma_wait3A_396 = arith.constant 0 : i32
    %dma_wait3A_397 = tpu.memref_slice %arg4[%add3A_393, %dma_wait3A_396] : memref<32768x1152xf32, #tpu.memory_space<hbm>> -> memref<16x1152xf32, #tpu.memory_space<hbm>>
    tpu.wait_dma2 semaphore(%arg23 : memref<!tpu.dma_semaphore, #tpu.memory_space<semaphore_mem>>) src(%arg11 : memref<16x1152xf32, #tpu.memory_space<vmem>>) dst(%dma_wait3A_397 : memref<16x1152xf32, #tpu.memory_space<hbm>>)
    %add3A_398 = arith.constant 960 : i32
    %add3A_399 = arith.addi %mul3A_2, %add3A_398 : i32
    %dma_wait3A_400 = arith.constant 0 : i32
    %dma_wait3A_401 = tpu.memref_slice %arg4[%add3A_399, %dma_wait3A_400] : memref<32768x1152xf32, #tpu.memory_space<hbm>> -> memref<16x1152xf32, #tpu.memory_space<hbm>>
    %dma_wait3A_402 = arith.constant 0 : i32
    %dma_wait3A_403 = tpu.memref_slice %arg4[%add3A_399, %dma_wait3A_402] : memref<32768x1152xf32, #tpu.memory_space<hbm>> -> memref<16x1152xf32, #tpu.memory_space<hbm>>
    tpu.wait_dma2 semaphore(%arg18 : memref<!tpu.dma_semaphore, #tpu.memory_space<semaphore_mem>>) src(%arg6 : memref<16x1152xf32, #tpu.memory_space<vmem>>) dst(%dma_wait3A_403 : memref<16x1152xf32, #tpu.memory_space<hbm>>)
    %add3A_404 = arith.constant 976 : i32
    %add3A_405 = arith.addi %mul3A_2, %add3A_404 : i32
    %dma_wait3A_406 = arith.constant 0 : i32
    %dma_wait3A_407 = tpu.memref_slice %arg4[%add3A_405, %dma_wait3A_406] : memref<32768x1152xf32, #tpu.memory_space<hbm>> -> memref<16x1152xf32, #tpu.memory_space<hbm>>
    %dma_wait3A_408 = arith.constant 0 : i32
    %dma_wait3A_409 = tpu.memref_slice %arg4[%add3A_405, %dma_wait3A_408] : memref<32768x1152xf32, #tpu.memory_space<hbm>> -> memref<16x1152xf32, #tpu.memory_space<hbm>>
    tpu.wait_dma2 semaphore(%arg19 : memref<!tpu.dma_semaphore, #tpu.memory_space<semaphore_mem>>) src(%arg7 : memref<16x1152xf32, #tpu.memory_space<vmem>>) dst(%dma_wait3A_409 : memref<16x1152xf32, #tpu.memory_space<hbm>>)
    %add3A_410 = arith.constant 992 : i32
    %add3A_411 = arith.addi %mul3A_2, %add3A_410 : i32
    %dma_wait3A_412 = arith.constant 0 : i32
    %dma_wait3A_413 = tpu.memref_slice %arg4[%add3A_411, %dma_wait3A_412] : memref<32768x1152xf32, #tpu.memory_space<hbm>> -> memref<16x1152xf32, #tpu.memory_space<hbm>>
    %dma_wait3A_414 = arith.constant 0 : i32
    %dma_wait3A_415 = tpu.memref_slice %arg4[%add3A_411, %dma_wait3A_414] : memref<32768x1152xf32, #tpu.memory_space<hbm>> -> memref<16x1152xf32, #tpu.memory_space<hbm>>
    tpu.wait_dma2 semaphore(%arg20 : memref<!tpu.dma_semaphore, #tpu.memory_space<semaphore_mem>>) src(%arg8 : memref<16x1152xf32, #tpu.memory_space<vmem>>) dst(%dma_wait3A_415 : memref<16x1152xf32, #tpu.memory_space<hbm>>)
    %add3A_416 = arith.constant 1008 : i32
    %add3A_417 = arith.addi %mul3A_2, %add3A_416 : i32
    %dma_wait3A_418 = arith.constant 0 : i32
    %dma_wait3A_419 = tpu.memref_slice %arg4[%add3A_417, %dma_wait3A_418] : memref<32768x1152xf32, #tpu.memory_space<hbm>> -> memref<16x1152xf32, #tpu.memory_space<hbm>>
    %dma_wait3A_420 = arith.constant 0 : i32
    %dma_wait3A_421 = tpu.memref_slice %arg4[%add3A_417, %dma_wait3A_420] : memref<32768x1152xf32, #tpu.memory_space<hbm>> -> memref<16x1152xf32, #tpu.memory_space<hbm>>
    tpu.wait_dma2 semaphore(%arg21 : memref<!tpu.dma_semaphore, #tpu.memory_space<semaphore_mem>>) src(%arg9 : memref<16x1152xf32, #tpu.memory_space<vmem>>) dst(%dma_wait3A_421 : memref<16x1152xf32, #tpu.memory_space<hbm>>)
    return
  }
}

</mosaic_0001>

<sc_bundles>
// kernel: kernel.3.cloned.1.call-start
scs
__scs_entry_jumppad:
0x0: {  	(pc) =	sbr.rel $0x88, $3  }
0x1: {  	(tag) =	ssettag $0x0;
	lr =	simm.s32 $0x1  }
0x2: {  	[smem:$0x3F9F] =	sst lr;
	_ =	strace $0xD0000000  }
0x3: {  	_ = 	snop  }
0x4: {  	_ = 	snop  }
0x5: {  	_ = 	snop  }
0x6: {  	_ = 	snop  }
0x7: {  	_ = 	snop  }
__scs_overlays_trampoline_lowered:
0x8: {  	[smem:$0x3FAE] =	sst s0  }
0x9: {  	[smem:$0x3FAF] =	sst s1  }
0xa: {  	[smem:$0x3FB0] =	sst s2  }
0xb: {  	[smem:$0x3FB1] =	sst s3  }
0xc: {  	[smem:$0x3FB2] =	sst s4  }
0xd: {  	[smem:$0x3FB3] =	sst s5  }
0xe: {  	[smem:$0x3FB4] =	sst s6  }
0xf: {  	[smem:$0x3FB5] =	sst s7  }
0x10: {  	[smem:$0x3FB6] =	sst s8  }
0x11: {  	[smem:$0x3FB7] =	sst s9;
	s0 =	simm.s32 @!p0 $0x0  }
0x12: {  	s1 =	sld [smem:$0x3F9D];
	s0 =	simm.s32 @p0 $0x1  }
0x13: {  	[smem:$0x3FB8] =	sst s0;
	s0 =	simm.s32 @!p1 $0x0  }
0x14: {  	s2 =	sld [smem:$0x3F9C];
	s0 =	simm.s32 @p1 $0x1  }
0x15: {  	[smem:$0x3FB9] =	sst s0;
	s0 =	simm.s32 @!p2 $0x0  }
0x16: {  	s3 =	sld [smem:$0x3FDB];
	s0 =	simm.s32 @p2 $0x1  }
0x17: {  	s4 =	simm.s32 $0x1BF5;
	[smem:$0x3FBB] =	sst s0  }
0x18: {  	s0 =	sld [smem:$0x3F9E];
	_ =	swait.ge [sflag:s4], $0x0  }
0x19: {  	s7 =	sld [smem:$0x3F9F]  }
0x1a: {  	s8 =	sadd.s32 $0xFFFFE003, lr  }
0x1b: {  	s9 =	sadd.s32 $0xFFFFFEF7, lr;
	s5 =	simm.s32 $0xFFFFFFFF;
	p2 =	slt.u32 s8, $0xFFFFF086  }
0x1c: {  	p1 =	slt.u32 s9, $0xF7A;
	s5 =	simm.s32 @!p2 $0x0  }
0x1d: {  	s5 =	simm.s32 @p1 $0x1;
	p0 =	seq.s32 s7, s2  }
0x1e: {  	s7 =	smul.u32 @!p0 $0xF7A, s2;
	p2 =	seq.s32 @!p0 s5, $0x0  }
0x1f: {  	s9 =	smul.u32 $0xF7A, s1;
	s8 =	simm.s32 @!p0 $0x1BF5;
	p2 =	por !p2, p0  }
0x20: {  	[sflag:s8] =	ssyncset.s32 @!p0 $0xFFFFF086;
	s6 =	sadd.s32 @!p0 s3, s7;
	s7 =	simm.s32 @!p0 $0x108  }
0x21: {  	s3 =	sadd.s32 s3, s9;
	s6 =	sadd.s32 @!p0 $0x88, s6;
	s7 =	simm.s32 @p2 $0x1082  }
0x22: {  	[simem:s7], [sflag:s8] =	dma.local @!p0 [hbm:s6], $0xF7A  }
0x23: {  	s9 =	sor.u32 $0xD0000000, s2;
	s6 =	simm.s32 $0x108;
	_ =	swait.ge @!p0 [sflag:s8], $0x0  }
0x24: {  	s3 =	sadd.s32 $0x88, s3;
	s6 =	simm.s32 @!p1 $0x1082;
	[sflag:s4] =	ssyncset.s32 $0xFFFFF086  }
0x25: {  	[simem:s6], [sflag:s4] =	dma.local [hbm:s3], $0xF7A  }
0x26: {  	[smem:$0x3F9F] =	sst s1;
	(tag) =	ssettag s2;
	_ =	strace s9  }
0x27: {  	s1 =	sld [smem:$0x3FAF]  }
0x28: {  	s2 =	sld [smem:$0x3FB0]  }
0x29: {  	s4 =	sld [smem:$0x3FB2]  }
0x2a: {  	p0 =	seq.s32 s5, $0x0;
	s5 =	sld [smem:$0x3FB3]  }
0x2b: {  	s6 =	sld [smem:$0x3FB4]  }
0x2c: {  	s7 =	sld [smem:$0x3FB5]  }
0x2d: {  	s3 =	simm.s32 $0x108;
	s8 =	sld [smem:$0x3FB6]  }
0x2e: {  	s3 =	simm.s32 @!p0 $0x1082;
	s9 =	sld [smem:$0x3FB7]  }
0x2f: {  	lr =	sadd.s32 s0, s3;
	s0 =	sld [smem:$0x3FAE]  }
0x30: {  	s3 =	sld [smem:$0x3FB1]  }
0x31: {  	[smem:$0x3FBA] =	sst s10  }
0x32: {  	s10 =	sld [smem:$0x3FB8];
	_ =	sdelay $0x3  }
0x33: {  	p0 =	seq.s32 s10, $0x1;
	s10 =	sld [smem:$0x3FBA];
	_ =	sdelay $0x3  }
0x34: {  	[smem:$0x3FBA] =	sst s10  }
0x35: {  	s10 =	sld [smem:$0x3FB9];
	_ =	sdelay $0x3  }
0x36: {  	p1 =	seq.s32 s10, $0x1;
	s10 =	sld [smem:$0x3FBA];
	_ =	sdelay $0x3  }
0x37: {  	[smem:$0x3FBA] =	sst s10  }
0x38: {  	s10 =	sld [smem:$0x3FBB]  }
0x39: {  	_ = 	snop;
	(pc) =	sbr.ind lr, $3  }
0x3a: {  	_ = 	snop  }
0x3b: {  	_ = 	snop  }
0x3c: {  	p2 =	seq.s32 s10, $0x1;
	s10 =	sld [smem:$0x3FBA]  }
0x3d: {  	_ =	shalt  }
0x3e: {  	_ =	shalt  }
0x3f: {  	_ =	shalt  }
0x40: {  	_ =	shalt  }
0x41: {  	_ =	shalt  }
0x42: {  	_ =	shalt  }
0x43: {  	_ =	shalt  }
0x44: {  	_ =	shalt  }
0x45: {  	_ =	shalt  }
0x46: {  	_ =	shalt  }
0x47: {  	_ =	shalt  }
0x48: {  	_ =	shalt  }
0x49: {  	_ =	shalt  }
0x4a: {  	_ =	shalt  }
0x4b: {  	_ =	shalt  }
0x4c: {  	_ =	shalt  }
0x4d: {  	_ =	shalt  }
0x4e: {  	_ =	shalt  }
0x4f: {  	_ =	shalt  }
0x50: {  	_ =	shalt  }
0x51: {  	_ =	shalt  }
0x52: {  	_ =	shalt  }
0x53: {  	_ =	shalt  }
0x54: {  	_ =	shalt  }
0x55: {  	_ =	shalt  }
0x56: {  	_ =	shalt  }
0x57: {  	_ =	shalt  }
0x58: {  	_ =	shalt  }
0x59: {  	_ =	shalt  }
0x5a: {  	_ =	shalt  }
0x5b: {  	_ =	shalt  }
0x5c: {  	_ =	shalt  }
0x5d: {  	_ =	shalt  }
0x5e: {  	_ =	shalt  }
0x5f: {  	_ =	shalt  }
0x60: {  	_ =	shalt  }
0x61: {  	_ =	shalt  }
0x62: {  	_ =	shalt  }
0x63: {  	_ =	shalt  }
0x64: {  	_ =	shalt  }
0x65: {  	_ =	shalt  }
0x66: {  	_ =	shalt  }
0x67: {  	_ =	shalt  }
0x68: {  	_ =	shalt  }
0x69: {  	_ =	shalt  }
0x6a: {  	_ =	shalt  }
0x6b: {  	_ =	shalt  }
0x6c: {  	_ =	shalt  }
0x6d: {  	_ =	shalt  }
0x6e: {  	_ =	shalt  }
0x6f: {  	_ =	shalt  }
0x70: {  	_ =	shalt  }
0x71: {  	_ =	shalt  }
0x72: {  	_ =	shalt  }
0x73: {  	_ =	shalt  }
0x74: {  	_ =	shalt  }
0x75: {  	_ =	shalt  }
0x76: {  	_ =	shalt  }
0x77: {  	_ =	shalt  }
0x78: {  	_ =	shalt  }
0x79: {  	_ =	shalt  }
0x7a: {  	_ =	shalt  }
0x7b: {  	_ =	shalt  }
0x7c: {  	_ =	shalt  }
0x7d: {  	_ =	shalt  }
0x7e: {  	_ =	shalt  }
0x7f: {  	_ =	shalt  }
0x80: {  	_ =	shalt  }
0x81: {  	_ =	shalt  }
0x82: {  	_ =	shalt  }
0x83: {  	_ =	shalt  }
0x84: {  	_ =	shalt  }
0x85: {  	_ =	shalt  }
0x86: {  	_ =	shalt  }
0x87: {  	_ =	shalt  }
.Lfunc_end0:
.L_simem_size_0:
called_computation_lowered:
.L_overlay_start_0:
0x88: {  	s2 =	sld [smem:$0x3FD9]  }
0x89: {  	s3 =	sld [smem:$0x3FFE];
	_ =	sdelay $0x1  }
0x8a: {  	s1 =	srdreg.scid  }
0x8b: {  	s0 =	sand.u32 $0x1, s1  }
0x8c: {  	s17 =	sshll.u32 s0, $0xA;
	s2 =	sadd.s32 s3, s2  }
0x8d: {  	s2 =	sadd.s32 s2, s17  }
0x8e: {  	[smem:$0x3FC6] =	sst s2  }
0x8f: {  	_ = 	snop  }
0x90: {  	s2 =	sld [smem:$0x3FC8]  }
0x91: {  	s18 =	sld [smem:$0x3FD0];
	(tm) =	ssettm $0x1  }
0x92: {  	s4 =	sld [smem:$0x3FFB];
	_ =	sdelay $0x3  }
0x93: {  	_ =	strace s4  }
0x94: {  	s4 =	sld [smem:$0x3FFC];
	_ =	sdelay $0x3  }
0x95: {  	_ =	strace s4  }
0x96: {  	s4 =	sld [smem:$0x3FFD];
	_ =	sdelay $0x3  }
0x97: {  	_ =	strace s4  }
0x98: {  	_ =	strace $0x8FFFFFFF  }
0x99: {  	s19 =	sld [smem:$0x3FDB];
	_ =	sdelay $0x1  }
0x9a: {  	s5 =	simm.s32 $_scs_section_size  }
0x9b: {  	s6 =	simm.s32 $_size__tile_overlayer_lowered;
	s7 =	simm.s32 $_tile_overlayer_lowered  }
0x9c: {  	s22 =	simm.s32 $0x1BFF;
	s21 =	sshll.u32 s7, $0x1;
	s4 =	sadd.s32 s5, s19  }
0x9d: {  	s8 =	simm.s32 $0x0;
	s20 =	sshll.u32 s6, $0x1;
	s6 =	sadd.s32 s21, s4  }
0x9e: {  	[timem:s8], [sflag:s22] =	dma.local [hbm:s6], s20  }
0x9f: {  	_ =	swait.ge [sflag:s22], s20  }
0xa0: {  	s5 =	ssub.s32 $0x0, s20;
	[sflag:s22] =	ssyncset.done $0x0  }
0xa1: {  	[sflag:s22] =	ssyncadd.s32 s5;
	_ =	sdelay $0x1  }
0xa2: {  	s23 =	simm.s32 $0x1B8B  }
0xa3: {  	_ =	swait.ge [sflag:s23], $0x1  }
0xa4: {  	[sflag:s23] =	ssyncset.done $0x0  }
0xa5: {  	s25 =	simm.s32 $0x1B8E;
	s24 =	sld [smem:$0x3FFE];
	[sflag:s23] =	ssyncadd.s32 $0xFFFFFFFF  }
0xa6: {  	s26 =	simm.s32 $execute0_lowered;
	[smem:$0x3FD2] =	sst s25  }
0xa7: {  	s6 =	sshll.u32 s26, $0x1;
	_ =	strace $0x80000046;
	[dreg:$0x1] =	wrdreg $0xFFFFFFFF  }
0xa8: {  	s28 =	simm.s32 $_size_execute0_lowered;
	s4 =	sadd.s32 s4, s6;
	[dreg:$0x0] =	wrdreg $0x0  }
0xa9: {  	s6 =	sshll.u32 s28, $0x1;
	[dreg:$0x2] =	wrdreg s4  }
0xaa: {  	[dreg:$0x3] =	wrdreg s6  }
0xab: {  	[dreg:$0x4] =	wrdreg $0xC0  }
0xac: {  	_ =	task [dreg:s8], $0x5FFFF  }
0xad: {  	[dreg:$0x1] =	wrdreg $0xFFFFFFFF  }
0xae: {  	[dreg:$0x0] =	wrdreg $0x60  }
0xaf: {  	[dreg:$0x2] =	wrdreg s24  }
0xb0: {  	[dreg:$0x3] =	wrdreg s2  }
0xb1: {  	[dreg:$0x4] =	wrdreg s18  }
0xb2: {  	[dreg:$0x5] =	wrdreg $0x9  }
0xb3: {  	_ =	task.clear_ibuf [dreg:s8], $0x6FFFF;
	_ =	strace $0x90000046  }
0xb4: {  	s29 =	simm.s32 $0x9;
	_ =	strace $0x80000048  }
0xb5: {  	_ =	swait.ge [sflag:s29], $0x1  }
0xb6: {  	[sflag:s29] =	ssyncadd.s32 $0xFFFFFFFF  }
0xb7: {  	_ =	strace $0x90000048  }
0xb8: {  	_ =	sfence  }
0xb9: {  	s30 =	sld [smem:$0x0];
	_ =	sdelay $0x2  }
0xba: {  	s31 =	sshll.u32 s1, $0xD;
	s1 =	sshrl.u32 s1, $0x2  }
0xbb: {  	s3 =	sand.u32 $0x4000, s31;
	s1 =	sadd.s32 s1, s30  }
0xbc: {  	s0 =	sor.u32 s3, s0;
	s1 =	sshll.u32 s1, $0x11  }
0xbd: {  	s0 =	sor.u32 s1, s0  }
0xbe: {  	s0 =	sadd.s32 $0x8F2B, s0  }
0xbf: {  	[sflag:s0] =	ssyncadd.remote.s32 $0x1  }
0xc0: {  	_ =	sfence.sel $0xFFFF  }
0xc1: {  	[dreg:$0x0] =	wrdreg $0xFFFFFFFF;
	(pc) =	sbr.abs _section_cstart, $3  }
0xc2: {  	[dreg:$0x1] =	wrdreg $0xFFFFFFFF  }
0xc3: {  	_ =	task.clear_ibuf [dreg:s8], $0x2FFFF;
	_ =	strace $0x9FFFFFFF  }
0xc4: {  	(tm) =	ssettm $0x7FFFFFFF  }
0xc5: {  	_ =	shalt  }
tec
execute0_lowered:
.L_overlay_start_1:
0x0: {  	(tag) =	ssettag $0x1  }
0x1: {  	s1 =	rddreg [dreg:$0x0]  }
0x2: {  	s2 =	rddreg [dreg:$0x1]  }
0x3: {  	s0 =	rddreg [dreg:$0x2]  }
0x4: {  	s4 =	srdreg.scid;
	s12 =	stileid.u32  }
0x5: {  	s3 =	simm.s32 $0x0;
	s29 =	simm.s32 $0x11800;
	s28 =	simm.s32 $0x11C00  }
0x6: {  	s31 =	simm.s32 $0x5;
	s4 =	sand.u32 $0x1, s4;
	s5 =	sshll.u32 s12, $0x1  }
0x7: {  	[smem:$0x7FF] =	sst s3;
	s8 =	sadd.s32 $0x400, s2;
	s19 =	sshll.u32 s12, $0xB  }
0x8: {  	s9 =	sor.u32 s4, s5;
	s17 =	ssub.s32 $0x2, s4;
	_ =	strace $0x80000047  }
0x9: {  	s5 =	sadd.s32 $0x100, s2;
	s4 =	sshll.u32 s4, $0xA;
	s6 =	sshll.u32 s9, $0xA  }
0xa: {  	s7 =	sshrl.u32 s17, $0x1;
	s11 =	smul.u32 $0x24000, s9;
	s1 =	sadd.s32 s6, s1  }
0xb: {  	s9 =	smul.u32 $0x120000, s9;
	s10 =	ssub.s32 s17, s7;
	s1 =	sadd.s32 $0x400, s1  }
0xc: {  	s6 =	sadd.s32 $0x200, s2;
	s11 =	sadd.s32 s0, s11;
	[dreg:$0xa] =	wrdreg s1  }
0xd: {  	s7 =	sadd.s32 $0x300, s2;
	s18 =	sadd.s32 $0x900, s11;
	[dreg:$0xb] =	wrdreg s11  }
0xe: {  	s9 =	sshrl.u32 s9, $0x3;
	s20 =	sadd.s32 $0x1200, s11;
	[dreg:$0xc] =	wrdreg s18  }
0xf: {  	s1 =	sor.u32 s4, s19;
	s21 =	sadd.s32 $0x1B00, s11;
	[dreg:$0xd] =	wrdreg s20  }
0x10: {  	s22 =	sadd.s32 $0x2400, s11;
	s9 =	sadd.s32 s0, s9;
	[dreg:$0xe] =	wrdreg s21  }
0x11: {  	[dreg:$0xf] =	wrdreg s22;
	s23 =	sor.u32 $0x90, s1;
	s24 =	sor.u32 $0xA0, s1  }
0x12: {  	s25 =	sadd.s32 $0x1DD00, s9;
	s26 =	sadd.s32 $0x1E600, s9;
	s30 =	sadd.s32 $0x1EF00, s9  }
0x13: {  	s13 =	sadd.s32 $0x1F800, s9;
	s15 =	sor.u32 $0x60, s1;
	s17 =	sor.u32 $0x80, s1  }
0x14: {  	s18 =	sor.u32 $0x70, s1;
	s1 =	sor.u32 $0x50, s1;
	[dreg:$0x10] =	wrdreg s25  }
0x15: {  	s21 =	sadd.s32 $0x20A00, s9;
	s22 =	sadd.s32 $0x21300, s9;
	[dreg:$0x11] =	wrdreg s26  }
0x16: {  	s4 =	sshrl.u32 s23, $0x3;
	s11 =	sshrl.u32 s24, $0x3;
	[dreg:$0x12] =	wrdreg s30  }
0x17: {  	[dreg:$0x13] =	wrdreg s13;
	s16 =	sshrl.u32 s15, $0x3;
	s13 =	sadd.s32 $0x20100, s9  }
0x18: {  	s12 =	sshrl.u32 s18, $0x3;
	s1 =	sshrl.u32 s1, $0x3;
	[dreg:$0x15] =	wrdreg s21  }
0x19: {  	[dreg:$0x16] =	wrdreg s22;
	s23 =	sadd.s32 $0x21C00, s9;
	s24 =	sadd.s32 $0x22500, s9  }
0x1a: {  	s25 =	sadd.s32 $0x22E00, s9;
	s26 =	sadd.s32 $0x23700, s9;
	[dreg:$0x14] =	wrdreg s13  }
0x1b: {  	s30 =	smax.u32 s10, $0x1;
	s21 =	simm.s32 $0x12400;
	[dreg:$0x17] =	wrdreg s23  }
0x1c: {  	s10 =	simm.s32 $0x13400;
	s4 =	smul.u32 $0x480, s4;
	[dreg:$0x18] =	wrdreg s24  }
0x1d: {  	s22 =	simm.s32 $0x2;
	s11 =	smul.u32 $0x480, s11;
	[dreg:$0x19] =	wrdreg s25  }
0x1e: {  	s9 =	simm.s32 $0x4;
	s12 =	smul.u32 $0x480, s12;
	[dreg:$0x1a] =	wrdreg s26  }
0x1f: {  	s15 =	simm.s32 $0x9;
	s1 =	smul.u32 $0x480, s1;
	[dreg:$0x1b] =	wrdreg s30  }
0x20: {  	s25 =	simm.s32 $0x18800;
	s24 =	simm.s32 $0x6;
	s13 =	simm.s32 $0x0  }
0x21: {  	s4 =	sadd.s32 s4, s0;
	s14 =	sadd.s32 s11, s0;
	s11 =	sshrl.u32 s17, $0x3  }
0x22: {  	s20 =	sadd.s32 s12, s0;
	[dreg:$0x4] =	wrdreg s4;
	s4 =	smul.u32 $0x480, s16  }
0x23: {  	s12 =	simm.s32 $0x7;
	[dreg:$0x5] =	wrdreg s14;
	s11 =	smul.u32 $0x480, s11  }
0x24: {  	s17 =	simm.s32 $0xC;
	[dreg:$0x8] =	wrdreg s20;
	s4 =	sadd.s32 s4, s0  }
0x25: {  	s20 =	simm.s32 $0x1;
	s19 =	sadd.s32 s11, s0;
	[dreg:$0x6] =	wrdreg s4  }
0x26: {  	v2 =	vlaneseq.u32;
	s14 =	simm.s32 $0x8;
	s0 =	sadd.s32 s1, s0;
	[dreg:$0x7] =	wrdreg s19  }
0x27: {  	vm0 =	vmmov $0xffff;
	vm1 =	vmmov $0xff;
	v1 =	vshrl.u32 v2, $0x3;
	s16 =	simm.s32 $0xA;
	s11 =	simm.s32 $0x3;
	[dreg:$0x9] =	wrdreg s0  }
0x28: {  	v0 =	vand.u32 $0x7, v2;
	v2 =	vor.u32 $0x8, v2;
	v1 =	vmul.u32 $0x8, v1;
	s4 =	simm.s32 $0x12C00;
	s19 =	simm.s32 $0x13C00;
	s0 =	simm.s32 $0xB  }
.LBB2_1:
0x29: {  	[dreg:$0x1c] =	wrdreg s13  }
0x2a: {  	s1 =	rddreg [dreg:$0xa];
	s23 =	simm.s32 $0xD  }
0x2b: {  	[tilespmem:s3], [sflag:$0xD] =	stream.linear.gather [hbm4b:s1+s3], $0x2000, $0x38;
	[tilespmem:$0x1D000] =	vst v63  }
0x2c: {  	_ =	swait.ge [sflag:s23], $0x2000  }
0x2d: {  	[sflag:s23] =	ssyncset.done $0x0  }
0x2e: {  	[sflag:s23] =	ssyncadd.s32 $0xFFFFE000  }
0x2f: {  	v3 =	vld [tilespmem:$0x0];
	_ =	sdelay $0x4  }
0x30: {  	v4 =	vshrl.u32 v3, $0x3  }
0x31: {  	v4 =	vmul.u32 $0x48, v4  }
0x32: {  	v3 =	vand.u32 $0x7, v3  }
0x33: {  	v3 =	vor.u32 v3, v4  }
0x34: {  	v4 =	vperm.xlane v3, v0;
	_ =	sdelay $0x1  }
0x35: {  	v4 =	vadd.s32 v1, v4;
	_ =	sdelay $0x3  }
0x36: {  	s18 =	simm.s32 $0x2000  }
0x37: {  	[tilespmem:s18], [sflag:$0x1] =	stream.indirect_vreg.gather [hbm4b:s2+s3], $0x80, v4, vm0, $0xb8;
	[tilespmem:$0x1D000] =	vst v63  }
0x38: {  	s26 =	simm.s32 $0x2800  }
0x39: {  	[tilespmem:s26], [sflag:$0x1] =	stream.indirect_vreg.gather [hbm4b:s5+s3], $0x80, v4, vm0, $0xb8;
	[tilespmem:$0x1D000] =	vst v63  }
0x3a: {  	s30 =	simm.s32 $0x3000;
	v3 =	vperm.xlane v3, v2  }
0x3b: {  	[tilespmem:s30], [sflag:$0x1] =	stream.indirect_vreg.gather [hbm4b:s6+s3], $0x80, v4, vm0, $0xb8;
	[tilespmem:$0x1D000] =	vst v63  }
0x3c: {  	s13 =	simm.s32 $0x3800;
	v3 =	vadd.s32 v1, v3  }
0x3d: {  	[tilespmem:s13], [sflag:$0x1] =	stream.indirect_vreg.gather [hbm4b:s7+s3], $0x80, v4, vm0, $0xb8;
	[tilespmem:$0x1D000] =	vst v63  }
0x3e: {  	s23 =	simm.s32 $0x4000  }
0x3f: {  	[tilespmem:s23], [sflag:$0x1] =	stream.indirect_vreg.gather [hbm4b:s8+s3], $0x80, v4, vm1, $0xb8;
	[tilespmem:$0x1D000] =	vst v63  }
0x40: {  	s26 =	simm.s32 $0x4400  }
0x41: {  	[tilespmem:s26], [sflag:$0x1] =	stream.indirect_vreg.gather [hbm4b:s2+s3], $0x80, v3, vm0, $0xb8;
	[tilespmem:$0x1D000] =	vst v63  }
0x42: {  	s30 =	simm.s32 $0x4C00  }
0x43: {  	[tilespmem:s30], [sflag:$0x1] =	stream.indirect_vreg.gather [hbm4b:s5+s3], $0x80, v3, vm0, $0xb8;
	[tilespmem:$0x1D000] =	vst v63  }
0x44: {  	s13 =	simm.s32 $0x5400  }
0x45: {  	[tilespmem:s13], [sflag:$0x1] =	stream.indirect_vreg.gather [hbm4b:s6+s3], $0x80, v3, vm0, $0xb8;
	[tilespmem:$0x1D000] =	vst v63  }
0x46: {  	s23 =	simm.s32 $0x5C00  }
0x47: {  	[tilespmem:s23], [sflag:$0x1] =	stream.indirect_vreg.gather [hbm4b:s7+s3], $0x80, v3, vm0, $0xb8;
	[tilespmem:$0x1D000] =	vst v63  }
0x48: {  	s26 =	simm.s32 $0x6400  }
0x49: {  	[tilespmem:s26], [sflag:$0x1] =	stream.indirect_vreg.gather [hbm4b:s8+s3], $0x80, v3, vm1, $0xb8;
	[tilespmem:$0x1D000] =	vst v63  }
0x4a: {  	v3 =	vld [tilespmem:$0x80];
	_ =	sdelay $0x4  }
0x4b: {  	v56 =	vshrl.u32 v3, $0x3  }
0x4c: {  	v4 =	vmul.u32 $0x48, v56  }
0x4d: {  	v3 =	vand.u32 $0x7, v3  }
0x4e: {  	v3 =	vor.u32 v3, v4  }
0x4f: {  	v4 =	vperm.xlane v3, v0;
	_ =	sdelay $0x1  }
0x50: {  	v4 =	vadd.s32 v1, v4;
	_ =	sdelay $0x3  }
0x51: {  	s13 =	simm.s32 $0x6800  }
0x52: {  	[tilespmem:s13], [sflag:$0x2] =	stream.indirect_vreg.gather [hbm4b:s2+s3], $0x80, v4, vm0, $0xb8;
	[tilespmem:$0x1D000] =	vst v63  }
0x53: {  	s30 =	simm.s32 $0x7000  }
0x54: {  	[tilespmem:s30], [sflag:$0x2] =	stream.indirect_vreg.gather [hbm4b:s5+s3], $0x80, v4, vm0, $0xb8;
	[tilespmem:$0x1D000] =	vst v63  }
0x55: {  	s23 =	simm.s32 $0x7800;
	v3 =	vperm.xlane v3, v2  }
0x56: {  	[tilespmem:s23], [sflag:$0x2] =	stream.indirect_vreg.gather [hbm4b:s6+s3], $0x80, v4, vm0, $0xb8;
	[tilespmem:$0x1D000] =	vst v63  }
0x57: {  	s26 =	simm.s32 $0x8000;
	v3 =	vadd.s32 v1, v3  }
0x58: {  	[tilespmem:s26], [sflag:$0x2] =	stream.indirect_vreg.gather [hbm4b:s7+s3], $0x80, v4, vm0, $0xb8;
	[tilespmem:$0x1D000] =	vst v63  }
0x59: {  	s30 =	simm.s32 $0x8800  }
0x5a: {  	[tilespmem:s30], [sflag:$0x2] =	stream.indirect_vreg.gather [hbm4b:s8+s3], $0x80, v4, vm1, $0xb8;
	[tilespmem:$0x1D000] =	vst v63  }
0x5b: {  	s23 =	simm.s32 $0x8C00  }
0x5c: {  	[tilespmem:s23], [sflag:$0x2] =	stream.indirect_vreg.gather [hbm4b:s2+s3], $0x80, v3, vm0, $0xb8;
	[tilespmem:$0x1D000] =	vst v63  }
0x5d: {  	s26 =	simm.s32 $0x9400  }
0x5e: {  	[tilespmem:s26], [sflag:$0x2] =	stream.indirect_vreg.gather [hbm4b:s5+s3], $0x80, v3, vm0, $0xb8;
	[tilespmem:$0x1D000] =	vst v63  }
0x5f: {  	s30 =	simm.s32 $0x9C00  }
0x60: {  	[tilespmem:s30], [sflag:$0x2] =	stream.indirect_vreg.gather [hbm4b:s6+s3], $0x80, v3, vm0, $0xb8;
	[tilespmem:$0x1D000] =	vst v63  }
0x61: {  	s23 =	simm.s32 $0xA400  }
0x62: {  	[tilespmem:s23], [sflag:$0x2] =	stream.indirect_vreg.gather [hbm4b:s7+s3], $0x80, v3, vm0, $0xb8;
	[tilespmem:$0x1D000] =	vst v63  }
0x63: {  	s26 =	simm.s32 $0xAC00  }
0x64: {  	[tilespmem:s26], [sflag:$0x2] =	stream.indirect_vreg.gather [hbm4b:s8+s3], $0x80, v3, vm1, $0xb8;
	[tilespmem:$0x1D000] =	vst v63  }
0x65: {  	v3 =	vld [tilespmem:$0x100];
	_ =	sdelay $0x4  }
0x66: {  	v57 =	vshrl.u32 v3, $0x3  }
0x67: {  	v4 =	vmul.u32 $0x48, v57  }
0x68: {  	v3 =	vand.u32 $0x7, v3  }
0x69: {  	v3 =	vor.u32 v3, v4  }
0x6a: {  	v4 =	vperm.xlane v3, v0;
	_ =	sdelay $0x1  }
0x6b: {  	v4 =	vadd.s32 v1, v4;
	_ =	sdelay $0x3  }
0x6c: {  	s23 =	simm.s32 $0xB000  }
0x6d: {  	[tilespmem:s23], [sflag:$0x3] =	stream.indirect_vreg.gather [hbm4b:s2+s3], $0x80, v4, vm0, $0xb8;
	[tilespmem:$0x1D000] =	vst v63  }
0x6e: {  	s30 =	simm.s32 $0xB800  }
0x6f: {  	[tilespmem:s30], [sflag:$0x3] =	stream.indirect_vreg.gather [hbm4b:s5+s3], $0x80, v4, vm0, $0xb8;
	[tilespmem:$0x1D000] =	vst v63  }
0x70: {  	s26 =	simm.s32 $0xC000;
	v3 =	vperm.xlane v3, v2  }
0x71: {  	[tilespmem:s26], [sflag:$0x3] =	stream.indirect_vreg.gather [hbm4b:s6+s3], $0x80, v4, vm0, $0xb8;
	[tilespmem:$0x1D000] =	vst v63  }
0x72: {  	v3 =	vadd.s32 v1, v3;
	s30 =	simm.s32 $0xC800  }
0x73: {  	[tilespmem:s30], [sflag:$0x3] =	stream.indirect_vreg.gather [hbm4b:s7+s3], $0x80, v4, vm0, $0xb8;
	[tilespmem:$0x1D000] =	vst v63  }
0x74: {  	s26 =	simm.s32 $0xD000  }
0x75: {  	[tilespmem:s26], [sflag:$0x3] =	stream.indirect_vreg.gather [hbm4b:s8+s3], $0x80, v4, vm1, $0xb8;
	[tilespmem:$0x1D000] =	vst v63  }
0x76: {  	s30 =	simm.s32 $0xD400  }
0x77: {  	[tilespmem:s30], [sflag:$0x3] =	stream.indirect_vreg.gather [hbm4b:s2+s3], $0x80, v3, vm0, $0xb8;
	[tilespmem:$0x1D000] =	vst v63  }
0x78: {  	s26 =	simm.s32 $0xDC00  }
0x79: {  	[tilespmem:s26], [sflag:$0x3] =	stream.indirect_vreg.gather [hbm4b:s5+s3], $0x80, v3, vm0, $0xb8;
	[tilespmem:$0x1D000] =	vst v63  }
0x7a: {  	s30 =	simm.s32 $0xE400  }
0x7b: {  	[tilespmem:s30], [sflag:$0x3] =	stream.indirect_vreg.gather [hbm4b:s6+s3], $0x80, v3, vm0, $0xb8;
	[tilespmem:$0x1D000] =	vst v63  }
0x7c: {  	s26 =	simm.s32 $0xEC00  }
0x7d: {  	[tilespmem:s26], [sflag:$0x3] =	stream.indirect_vreg.gather [hbm4b:s7+s3], $0x80, v3, vm0, $0xb8;
	[tilespmem:$0x1D000] =	vst v63  }
0x7e: {  	s30 =	simm.s32 $0xF400  }
0x7f: {  	[tilespmem:s30], [sflag:$0x3] =	stream.indirect_vreg.gather [hbm4b:s8+s3], $0x80, v3, vm1, $0xb8;
	[tilespmem:$0x1D000] =	vst v63  }
0x80: {  	v3 =	vld [tilespmem:$0x180];
	_ =	sdelay $0x4  }
0x81: {  	v58 =	vshrl.u32 v3, $0x3  }
0x82: {  	v4 =	vmul.u32 $0x48, v58  }
0x83: {  	v3 =	vand.u32 $0x7, v3  }
0x84: {  	v3 =	vor.u32 v3, v4  }
0x85: {  	v4 =	vperm.xlane v3, v0;
	_ =	sdelay $0x1  }
0x86: {  	v4 =	vadd.s32 v1, v4;
	_ =	sdelay $0x3  }
0x87: {  	s30 =	simm.s32 $0xF800  }
0x88: {  	[tilespmem:s30], [sflag:$0x4] =	stream.indirect_vreg.gather [hbm4b:s2+s3], $0x80, v4, vm0, $0xb8;
	[tilespmem:$0x1D000] =	vst v63  }
0x89: {  	s26 =	simm.s32 $0x10000  }
0x8a: {  	[tilespmem:s26], [sflag:$0x4] =	stream.indirect_vreg.gather [hbm4b:s5+s3], $0x80, v4, vm0, $0xb8;
	[tilespmem:$0x1D000] =	vst v63  }
0x8b: {  	v3 =	vperm.xlane v3, v2;
	s26 =	simm.s32 $0x10800  }
0x8c: {  	[tilespmem:s26], [sflag:$0x4] =	stream.indirect_vreg.gather [hbm4b:s6+s3], $0x80, v4, vm0, $0xb8;
	[tilespmem:$0x1D000] =	vst v63  }
0x8d: {  	v3 =	vadd.s32 v1, v3;
	s26 =	simm.s32 $0x11000  }
0x8e: {  	[tilespmem:s26], [sflag:$0x4] =	stream.indirect_vreg.gather [hbm4b:s7+s3], $0x80, v4, vm0, $0xb8;
	[tilespmem:$0x1D000] =	vst v63  }
0x8f: {  	_ = 	snop  }
0x90: {  	[tilespmem:s29], [sflag:$0x4] =	stream.indirect_vreg.gather [hbm4b:s8+s3], $0x80, v4, vm1, $0xb8;
	[tilespmem:$0x1D000] =	vst v63  }
0x91: {  	_ = 	snop  }
0x92: {  	[tilespmem:s28], [sflag:$0x4] =	stream.indirect_vreg.gather [hbm4b:s2+s3], $0x80, v3, vm0, $0xb8;
	[tilespmem:$0x1D000] =	vst v63  }
0x93: {  	_ = 	snop  }
0x94: {  	[tilespmem:s21], [sflag:$0x4] =	stream.indirect_vreg.gather [hbm4b:s5+s3], $0x80, v3, vm0, $0xb8;
	[tilespmem:$0x1D000] =	vst v63  }
0x95: {  	_ = 	snop  }
0x96: {  	[tilespmem:s4], [sflag:$0x4] =	stream.indirect_vreg.gather [hbm4b:s6+s3], $0x80, v3, vm0, $0xb8;
	[tilespmem:$0x1D000] =	vst v63  }
0x97: {  	_ = 	snop  }
0x98: {  	[tilespmem:s10], [sflag:$0x4] =	stream.indirect_vreg.gather [hbm4b:s7+s3], $0x80, v3, vm0, $0xb8;
	[tilespmem:$0x1D000] =	vst v63  }
0x99: {  	_ = 	snop  }
0x9a: {  	[tilespmem:s19], [sflag:$0x4] =	stream.indirect_vreg.gather [hbm4b:s8+s3], $0x80, v3, vm1, $0xb8;
	[tilespmem:$0x1D000] =	vst v63  }
0x9b: {  	_ =	swait.ge [sflag:s20], $0x4800  }
0x9c: {  	[sflag:s20] =	ssyncset.done $0x0  }
0x9d: {  	[sflag:s20] =	ssyncadd.s32 $0xFFFFB800  }
0x9e: {  	v3 =	vld [tilespmem:$0x200];
	_ =	sdelay $0x4  }
0x9f: {  	v59 =	vshrl.u32 v3, $0x3  }
0xa0: {  	v4 =	vmul.u32 $0x48, v59  }
0xa1: {  	v3 =	vand.u32 $0x7, v3  }
0xa2: {  	v3 =	vor.u32 v3, v4  }
0xa3: {  	v4 =	vperm.xlane v3, v0;
	_ =	sdelay $0x1  }
0xa4: {  	v4 =	vadd.s32 v1, v4;
	_ =	sdelay $0x3  }
0xa5: {  	s26 =	simm.s32 $0x14000  }
0xa6: {  	[tilespmem:s26], [sflag:$0x5] =	stream.indirect_vreg.gather [hbm4b:s2+s3], $0x80, v4, vm0, $0xb8;
	[tilespmem:$0x1D000] =	vst v63  }
0xa7: {  	s1 =	simm.s32 $0x14800  }
0xa8: {  	[tilespmem:s1], [sflag:$0x5] =	stream.indirect_vreg.gather [hbm4b:s5+s3], $0x80, v4, vm0, $0xb8;
	[tilespmem:$0x1D000] =	vst v63  }
0xa9: {  	v3 =	vperm.xlane v3, v2;
	s1 =	simm.s32 $0x15000  }
0xaa: {  	[tilespmem:s1], [sflag:$0x5] =	stream.indirect_vreg.gather [hbm4b:s6+s3], $0x80, v4, vm0, $0xb8;
	[tilespmem:$0x1D000] =	vst v63  }
0xab: {  	v3 =	vadd.s32 v1, v3;
	s1 =	simm.s32 $0x15800  }
0xac: {  	[tilespmem:s1], [sflag:$0x5] =	stream.indirect_vreg.gather [hbm4b:s7+s3], $0x80, v4, vm0, $0xb8;
	[tilespmem:$0x1D000] =	vst v63  }
0xad: {  	s1 =	simm.s32 $0x16000  }
0xae: {  	[tilespmem:s1], [sflag:$0x5] =	stream.indirect_vreg.gather [hbm4b:s8+s3], $0x80, v4, vm1, $0xb8;
	[tilespmem:$0x1D000] =	vst v63  }
0xaf: {  	s1 =	simm.s32 $0x16400  }
0xb0: {  	[tilespmem:s1], [sflag:$0x5] =	stream.indirect_vreg.gather [hbm4b:s2+s3], $0x80, v3, vm0, $0xb8;
	[tilespmem:$0x1D000] =	vst v63  }
0xb1: {  	s1 =	simm.s32 $0x16C00  }
0xb2: {  	[tilespmem:s1], [sflag:$0x5] =	stream.indirect_vreg.gather [hbm4b:s5+s3], $0x80, v3, vm0, $0xb8;
	[tilespmem:$0x1D000] =	vst v63  }
0xb3: {  	s1 =	simm.s32 $0x17400  }
0xb4: {  	[tilespmem:s1], [sflag:$0x5] =	stream.indirect_vreg.gather [hbm4b:s6+s3], $0x80, v3, vm0, $0xb8;
	[tilespmem:$0x1D000] =	vst v63  }
0xb5: {  	s1 =	simm.s32 $0x17C00  }
0xb6: {  	[tilespmem:s1], [sflag:$0x5] =	stream.indirect_vreg.gather [hbm4b:s7+s3], $0x80, v3, vm0, $0xb8;
	[tilespmem:$0x1D000] =	vst v63  }
0xb7: {  	s1 =	simm.s32 $0x18400  }
0xb8: {  	[tilespmem:s1], [sflag:$0x5] =	stream.indirect_vreg.gather [hbm4b:s8+s3], $0x80, v3, vm1, $0xb8;
	[tilespmem:$0x1D000] =	vst v63  }
0xb9: {  	_ =	swait.ge [sflag:s22], $0x4800  }
0xba: {  	[sflag:s22] =	ssyncset.done $0x0  }
0xbb: {  	s1 =	rddreg [dreg:$0xb];
	[sflag:s22] =	ssyncadd.s32 $0xFFFFB800  }
0xbc: {  	[hbm4b:s1+s3] =	stream.linear.scatter [tilespmem:s18], [sflag:$0x7], $0x4800, $0x38;
	[tilespmem:$0x1D000] =	vst v63  }
0xbd: {  	v3 =	vld [tilespmem:$0x280];
	_ =	sdelay $0x4  }
0xbe: {  	v60 =	vshrl.u32 v3, $0x3  }
0xbf: {  	v4 =	vmul.u32 $0x48, v60  }
0xc0: {  	v3 =	vand.u32 $0x7, v3  }
0xc1: {  	v3 =	vor.u32 v3, v4  }
0xc2: {  	v4 =	vperm.xlane v3, v0;
	_ =	sdelay $0x1  }
0xc3: {  	v4 =	vadd.s32 v1, v4;
	_ =	sdelay $0x4  }
0xc4: {  	[tilespmem:s25], [sflag:$0x6] =	stream.indirect_vreg.gather [hbm4b:s2+s3], $0x80, v4, vm0, $0xb8;
	[tilespmem:$0x1D000] =	vst v63  }
0xc5: {  	s25 =	simm.s32 $0x19000  }
0xc6: {  	[tilespmem:s25], [sflag:$0x6] =	stream.indirect_vreg.gather [hbm4b:s5+s3], $0x80, v4, vm0, $0xb8;
	[tilespmem:$0x1D000] =	vst v63  }
0xc7: {  	v3 =	vperm.xlane v3, v2;
	s25 =	simm.s32 $0x19800  }
0xc8: {  	[tilespmem:s25], [sflag:$0x6] =	stream.indirect_vreg.gather [hbm4b:s6+s3], $0x80, v4, vm0, $0xb8;
	[tilespmem:$0x1D000] =	vst v63  }
0xc9: {  	v3 =	vadd.s32 v1, v3;
	s25 =	simm.s32 $0x1A000  }
0xca: {  	[tilespmem:s25], [sflag:$0x6] =	stream.indirect_vreg.gather [hbm4b:s7+s3], $0x80, v4, vm0, $0xb8;
	[tilespmem:$0x1D000] =	vst v63  }
0xcb: {  	s25 =	simm.s32 $0x1A800  }
0xcc: {  	[tilespmem:s25], [sflag:$0x6] =	stream.indirect_vreg.gather [hbm4b:s8+s3], $0x80, v4, vm1, $0xb8;
	[tilespmem:$0x1D000] =	vst v63  }
0xcd: {  	s25 =	simm.s32 $0x1AC00  }
0xce: {  	[tilespmem:s25], [sflag:$0x6] =	stream.indirect_vreg.gather [hbm4b:s2+s3], $0x80, v3, vm0, $0xb8;
	[tilespmem:$0x1D000] =	vst v63  }
0xcf: {  	s25 =	simm.s32 $0x1B400  }
0xd0: {  	[tilespmem:s25], [sflag:$0x6] =	stream.indirect_vreg.gather [hbm4b:s5+s3], $0x80, v3, vm0, $0xb8;
	[tilespmem:$0x1D000] =	vst v63  }
0xd1: {  	s25 =	simm.s32 $0x1BC00  }
0xd2: {  	[tilespmem:s25], [sflag:$0x6] =	stream.indirect_vreg.gather [hbm4b:s6+s3], $0x80, v3, vm0, $0xb8;
	[tilespmem:$0x1D000] =	vst v63  }
0xd3: {  	s25 =	simm.s32 $0x1C400  }
0xd4: {  	[tilespmem:s25], [sflag:$0x6] =	stream.indirect_vreg.gather [hbm4b:s7+s3], $0x80, v3, vm0, $0xb8;
	[tilespmem:$0x1D000] =	vst v63  }
0xd5: {  	s25 =	simm.s32 $0x1CC00  }
0xd6: {  	[tilespmem:s25], [sflag:$0x6] =	stream.indirect_vreg.gather [hbm4b:s8+s3], $0x80, v3, vm1, $0xb8;
	[tilespmem:$0x1D000] =	vst v63  }
0xd7: {  	_ =	swait.ge [sflag:s11], $0x4800  }
0xd8: {  	[sflag:s11] =	ssyncset.done $0x0  }
0xd9: {  	s25 =	rddreg [dreg:$0xc];
	[sflag:s11] =	ssyncadd.s32 $0xFFFFB800  }
0xda: {  	[hbm4b:s25+s3] =	stream.linear.scatter [tilespmem:s13], [sflag:$0x8], $0x4800, $0x38;
	[tilespmem:$0x1D000] =	vst v63  }
0xdb: {  	_ =	swait.ge [sflag:s12], $0x4800  }
0xdc: {  	[sflag:s12] =	ssyncset.done $0x0  }
0xdd: {  	[sflag:s12] =	ssyncadd.s32 $0xFFFFB800  }
0xde: {  	v3 =	vld [tilespmem:$0x300];
	_ =	sdelay $0x4  }
0xdf: {  	v61 =	vshrl.u32 v3, $0x3  }
0xe0: {  	v4 =	vmul.u32 $0x48, v61  }
0xe1: {  	v3 =	vand.u32 $0x7, v3  }
0xe2: {  	v3 =	vor.u32 v3, v4  }
0xe3: {  	v4 =	vperm.xlane v3, v0;
	_ =	sdelay $0x1  }
0xe4: {  	v4 =	vadd.s32 v1, v4;
	_ =	sdelay $0x4  }
0xe5: {  	[tilespmem:s18], [sflag:$0x1] =	stream.indirect_vreg.gather [hbm4b:s2+s3], $0x80, v4, vm0, $0xb8;
	[tilespmem:$0x1D000] =	vst v63  }
0xe6: {  	s25 =	simm.s32 $0x2800  }
0xe7: {  	[tilespmem:s25], [sflag:$0x1] =	stream.indirect_vreg.gather [hbm4b:s5+s3], $0x80, v4, vm0, $0xb8;
	[tilespmem:$0x1D000] =	vst v63  }
0xe8: {  	v3 =	vperm.xlane v3, v2;
	s18 =	simm.s32 $0x3000  }
0xe9: {  	[tilespmem:s18], [sflag:$0x1] =	stream.indirect_vreg.gather [hbm4b:s6+s3], $0x80, v4, vm0, $0xb8;
	[tilespmem:$0x1D000] =	vst v63  }
0xea: {  	v3 =	vadd.s32 v1, v3;
	s25 =	simm.s32 $0x3800  }
0xeb: {  	[tilespmem:s25], [sflag:$0x1] =	stream.indirect_vreg.gather [hbm4b:s7+s3], $0x80, v4, vm0, $0xb8;
	[tilespmem:$0x1D000] =	vst v63  }
0xec: {  	s18 =	simm.s32 $0x4000  }
0xed: {  	[tilespmem:s18], [sflag:$0x1] =	stream.indirect_vreg.gather [hbm4b:s8+s3], $0x80, v4, vm1, $0xb8;
	[tilespmem:$0x1D000] =	vst v63  }
0xee: {  	s25 =	simm.s32 $0x4400  }
0xef: {  	[tilespmem:s25], [sflag:$0x1] =	stream.indirect_vreg.gather [hbm4b:s2+s3], $0x80, v3, vm0, $0xb8;
	[tilespmem:$0x1D000] =	vst v63  }
0xf0: {  	s18 =	simm.s32 $0x4C00  }
0xf1: {  	[tilespmem:s18], [sflag:$0x1] =	stream.indirect_vreg.gather [hbm4b:s5+s3], $0x80, v3, vm0, $0xb8;
	[tilespmem:$0x1D000] =	vst v63  }
0xf2: {  	s25 =	simm.s32 $0x5400  }
0xf3: {  	[tilespmem:s25], [sflag:$0x1] =	stream.indirect_vreg.gather [hbm4b:s6+s3], $0x80, v3, vm0, $0xb8;
	[tilespmem:$0x1D000] =	vst v63  }
0xf4: {  	s18 =	simm.s32 $0x5C00  }
0xf5: {  	[tilespmem:s18], [sflag:$0x1] =	stream.indirect_vreg.gather [hbm4b:s7+s3], $0x80, v3, vm0, $0xb8;
	[tilespmem:$0x1D000] =	vst v63  }
0xf6: {  	s25 =	simm.s32 $0x6400  }
0xf7: {  	[tilespmem:s25], [sflag:$0x1] =	stream.indirect_vreg.gather [hbm4b:s8+s3], $0x80, v3, vm1, $0xb8;
	[tilespmem:$0x1D000] =	vst v63  }
0xf8: {  	_ =	swait.ge [sflag:s9], $0x4800  }
0xf9: {  	[sflag:s9] =	ssyncset.done $0x0  }
0xfa: {  	s18 =	rddreg [dreg:$0xd];
	[sflag:s9] =	ssyncadd.s32 $0xFFFFB800  }
0xfb: {  	[hbm4b:s18+s3] =	stream.linear.scatter [tilespmem:s23], [sflag:$0x9], $0x4800, $0x38;
	[tilespmem:$0x1D000] =	vst v63  }
0xfc: {  	_ =	swait.ge [sflag:s14], $0x4800  }
0xfd: {  	[sflag:s14] =	ssyncset.done $0x0  }
0xfe: {  	[sflag:s14] =	ssyncadd.s32 $0xFFFFB800  }
0xff: {  	v3 =	vld [tilespmem:$0x380];
	_ =	sdelay $0x4  }
0x100: {  	v62 =	vshrl.u32 v3, $0x3  }
0x101: {  	v4 =	vmul.u32 $0x48, v62  }
0x102: {  	v3 =	vand.u32 $0x7, v3  }
0x103: {  	v3 =	vor.u32 v3, v4  }
0x104: {  	v4 =	vperm.xlane v3, v0;
	_ =	sdelay $0x1  }
0x105: {  	v4 =	vadd.s32 v1, v4;
	_ =	sdelay $0x4  }
0x106: {  	[tilespmem:s13], [sflag:$0x2] =	stream.indirect_vreg.gather [hbm4b:s2+s3], $0x80, v4, vm0, $0xb8;
	[tilespmem:$0x1D000] =	vst v63  }
0x107: {  	s25 =	simm.s32 $0x7000  }
0x108: {  	[tilespmem:s25], [sflag:$0x2] =	stream.indirect_vreg.gather [hbm4b:s5+s3], $0x80, v4, vm0, $0xb8;
	[tilespmem:$0x1D000] =	vst v63  }
0x109: {  	v3 =	vperm.xlane v3, v2;
	s13 =	simm.s32 $0x7800  }
0x10a: {  	[tilespmem:s13], [sflag:$0x2] =	stream.indirect_vreg.gather [hbm4b:s6+s3], $0x80, v4, vm0, $0xb8;
	[tilespmem:$0x1D000] =	vst v63  }
0x10b: {  	s18 =	simm.s32 $0x8000;
	v3 =	vadd.s32 v1, v3  }
0x10c: {  	[tilespmem:s18], [sflag:$0x2] =	stream.indirect_vreg.gather [hbm4b:s7+s3], $0x80, v4, vm0, $0xb8;
	[tilespmem:$0x1D000] =	vst v63  }
0x10d: {  	s25 =	simm.s32 $0x8800  }
0x10e: {  	[tilespmem:s25], [sflag:$0x2] =	stream.indirect_vreg.gather [hbm4b:s8+s3], $0x80, v4, vm1, $0xb8;
	[tilespmem:$0x1D000] =	vst v63  }
0x10f: {  	s13 =	simm.s32 $0x8C00  }
0x110: {  	[tilespmem:s13], [sflag:$0x2] =	stream.indirect_vreg.gather [hbm4b:s2+s3], $0x80, v3, vm0, $0xb8;
	[tilespmem:$0x1D000] =	vst v63  }
0x111: {  	s18 =	simm.s32 $0x9400  }
0x112: {  	[tilespmem:s18], [sflag:$0x2] =	stream.indirect_vreg.gather [hbm4b:s5+s3], $0x80, v3, vm0, $0xb8;
	[tilespmem:$0x1D000] =	vst v63  }
0x113: {  	s25 =	simm.s32 $0x9C00  }
0x114: {  	[tilespmem:s25], [sflag:$0x2] =	stream.indirect_vreg.gather [hbm4b:s6+s3], $0x80, v3, vm0, $0xb8;
	[tilespmem:$0x1D000] =	vst v63  }
0x115: {  	s13 =	simm.s32 $0xA400  }
0x116: {  	[tilespmem:s13], [sflag:$0x2] =	stream.indirect_vreg.gather [hbm4b:s7+s3], $0x80, v3, vm0, $0xb8;
	[tilespmem:$0x1D000] =	vst v63  }
0x117: {  	s18 =	simm.s32 $0xAC00  }
0x118: {  	[tilespmem:s18], [sflag:$0x2] =	stream.indirect_vreg.gather [hbm4b:s8+s3], $0x80, v3, vm1, $0xb8;
	[tilespmem:$0x1D000] =	vst v63  }
0x119: {  	_ =	swait.ge [sflag:s31], $0x4800  }
0x11a: {  	[sflag:s31] =	ssyncset.done $0x0  }
0x11b: {  	s25 =	rddreg [dreg:$0xe];
	[sflag:s31] =	ssyncadd.s32 $0xFFFFB800  }
0x11c: {  	[hbm4b:s25+s3] =	stream.linear.scatter [tilespmem:s30], [sflag:$0xA], $0x4800, $0x38;
	[tilespmem:$0x1D000] =	vst v63  }
0x11d: {  	_ =	swait.ge [sflag:s15], $0x4800  }
0x11e: {  	[sflag:s15] =	ssyncset.done $0x0  }
0x11f: {  	[sflag:s15] =	ssyncadd.s32 $0xFFFFB800  }
0x120: {  	v3 =	vld [tilespmem:$0x400];
	_ =	sdelay $0x4  }
0x121: {  	v63 =	vshrl.u32 v3, $0x3  }
0x122: {  	v4 =	vmul.u32 $0x48, v63  }
0x123: {  	v3 =	vand.u32 $0x7, v3  }
0x124: {  	v3 =	vor.u32 v3, v4  }
0x125: {  	v4 =	vperm.xlane v3, v0;
	_ =	sdelay $0x1  }
0x126: {  	v4 =	vadd.s32 v1, v4;
	_ =	sdelay $0x4  }
0x127: {  	[tilespmem:s23], [sflag:$0x3] =	stream.indirect_vreg.gather [hbm4b:s2+s3], $0x80, v4, vm0, $0xb8;
	[tilespmem:$0x1D000] =	vst v63  }
0x128: {  	s13 =	simm.s32 $0xB800  }
0x129: {  	[tilespmem:s13], [sflag:$0x3] =	stream.indirect_vreg.gather [hbm4b:s5+s3], $0x80, v4, vm0, $0xb8;
	[tilespmem:$0x1D000] =	vst v63  }
0x12a: {  	s18 =	simm.s32 $0xC000;
	v3 =	vperm.xlane v3, v2  }
0x12b: {  	[tilespmem:s18], [sflag:$0x3] =	stream.indirect_vreg.gather [hbm4b:s6+s3], $0x80, v4, vm0, $0xb8;
	[tilespmem:$0x1D000] =	vst v63  }
0x12c: {  	v3 =	vadd.s32 v1, v3;
	s23 =	simm.s32 $0xC800  }
0x12d: {  	[tilespmem:s23], [sflag:$0x3] =	stream.indirect_vreg.gather [hbm4b:s7+s3], $0x80, v4, vm0, $0xb8;
	[tilespmem:$0x1D000] =	vst v63  }
0x12e: {  	s25 =	simm.s32 $0xD000  }
0x12f: {  	[tilespmem:s25], [sflag:$0x3] =	stream.indirect_vreg.gather [hbm4b:s8+s3], $0x80, v4, vm1, $0xb8;
	[tilespmem:$0x1D000] =	vst v63  }
0x130: {  	s30 =	simm.s32 $0xD400  }
0x131: {  	[tilespmem:s30], [sflag:$0x3] =	stream.indirect_vreg.gather [hbm4b:s2+s3], $0x80, v3, vm0, $0xb8;
	[tilespmem:$0x1D000] =	vst v63  }
0x132: {  	s13 =	simm.s32 $0xDC00  }
0x133: {  	[tilespmem:s13], [sflag:$0x3] =	stream.indirect_vreg.gather [hbm4b:s5+s3], $0x80, v3, vm0, $0xb8;
	[tilespmem:$0x1D000] =	vst v63  }
0x134: {  	s18 =	simm.s32 $0xE400  }
0x135: {  	[tilespmem:s18], [sflag:$0x3] =	stream.indirect_vreg.gather [hbm4b:s6+s3], $0x80, v3, vm0, $0xb8;
	[tilespmem:$0x1D000] =	vst v63  }
0x136: {  	s23 =	simm.s32 $0xEC00  }
0x137: {  	[tilespmem:s23], [sflag:$0x3] =	stream.indirect_vreg.gather [hbm4b:s7+s3], $0x80, v3, vm0, $0xb8;
	[tilespmem:$0x1D000] =	vst v63  }
0x138: {  	s25 =	simm.s32 $0xF400  }
0x139: {  	[tilespmem:s25], [sflag:$0x3] =	stream.indirect_vreg.gather [hbm4b:s8+s3], $0x80, v3, vm1, $0xb8;
	[tilespmem:$0x1D000] =	vst v63  }
0x13a: {  	_ =	swait.ge [sflag:s24], $0x4800  }
0x13b: {  	[sflag:s24] =	ssyncset.done $0x0  }
0x13c: {  	s30 =	rddreg [dreg:$0xf];
	[sflag:s24] =	ssyncadd.s32 $0xFFFFB800  }
0x13d: {  	[hbm4b:s30+s3] =	stream.linear.scatter [tilespmem:s26], [sflag:$0xB], $0x4800, $0x38;
	[tilespmem:$0x1D000] =	vst v63  }
0x13e: {  	s18 =	simm.s32 $0x0;
	s26 =	simm.s32 $0x700  }
.LBB2_2:
0x13f: {  	_ =	swait.ge [sflag:s16], $0x4800  }
0x140: {  	[sflag:s16] =	ssyncset.done $0x0  }
0x141: {  	[sflag:s16] =	ssyncadd.s32 $0xFFFFB800  }
0x142: {  	v3 =	vld [tilespmem:s26+$0xFFFFFD80];
	_ =	sdelay $0x4  }
0x143: {  	v4 =	vshrl.u32 v3, $0x3  }
0x144: {  	v4 =	vmul.u32 $0x48, v4  }
0x145: {  	v3 =	vand.u32 $0x7, v3  }
0x146: {  	v3 =	vor.u32 v3, v4  }
0x147: {  	v4 =	vperm.xlane v3, v0;
	_ =	sdelay $0x1  }
0x148: {  	v4 =	vadd.s32 v1, v4;
	_ =	sdelay $0x3  }
0x149: {  	s30 =	simm.s32 $0xF800  }
0x14a: {  	[tilespmem:s30], [sflag:$0x4] =	stream.indirect_vreg.gather [hbm4b:s2+s3], $0x80, v4, vm0, $0xb8;
	[tilespmem:$0x1D000] =	vst v63  }
0x14b: {  	s1 =	simm.s32 $0x10000  }
0x14c: {  	[tilespmem:s1], [sflag:$0x4] =	stream.indirect_vreg.gather [hbm4b:s5+s3], $0x80, v4, vm0, $0xb8;
	[tilespmem:$0x1D000] =	vst v63  }
0x14d: {  	s13 =	simm.s32 $0x10800;
	v3 =	vperm.xlane v3, v2  }
0x14e: {  	[tilespmem:s13], [sflag:$0x4] =	stream.indirect_vreg.gather [hbm4b:s6+s3], $0x80, v4, vm0, $0xb8;
	[tilespmem:$0x1D000] =	vst v63  }
0x14f: {  	s23 =	simm.s32 $0x11000;
	v3 =	vadd.s32 v1, v3  }
0x150: {  	[tilespmem:s23], [sflag:$0x4] =	stream.indirect_vreg.gather [hbm4b:s7+s3], $0x80, v4, vm0, $0xb8;
	[tilespmem:$0x1D000] =	vst v63  }
0x151: {  	_ = 	snop  }
0x152: {  	[tilespmem:s29], [sflag:$0x4] =	stream.indirect_vreg.gather [hbm4b:s8+s3], $0x80, v4, vm1, $0xb8;
	[tilespmem:$0x1D000] =	vst v63  }
0x153: {  	_ = 	snop  }
0x154: {  	[tilespmem:s28], [sflag:$0x4] =	stream.indirect_vreg.gather [hbm4b:s2+s3], $0x80, v3, vm0, $0xb8;
	[tilespmem:$0x1D000] =	vst v63  }
0x155: {  	_ = 	snop  }
0x156: {  	[tilespmem:s21], [sflag:$0x4] =	stream.indirect_vreg.gather [hbm4b:s5+s3], $0x80, v3, vm0, $0xb8;
	[tilespmem:$0x1D000] =	vst v63  }
0x157: {  	_ = 	snop  }
0x158: {  	[tilespmem:s4], [sflag:$0x4] =	stream.indirect_vreg.gather [hbm4b:s6+s3], $0x80, v3, vm0, $0xb8;
	[tilespmem:$0x1D000] =	vst v63  }
0x159: {  	_ = 	snop  }
0x15a: {  	[tilespmem:s10], [sflag:$0x4] =	stream.indirect_vreg.gather [hbm4b:s7+s3], $0x80, v3, vm0, $0xb8;
	[tilespmem:$0x1D000] =	vst v63  }
0x15b: {  	_ = 	snop  }
0x15c: {  	[tilespmem:s19], [sflag:$0x4] =	stream.indirect_vreg.gather [hbm4b:s8+s3], $0x80, v3, vm1, $0xb8;
	[tilespmem:$0x1D000] =	vst v63  }
0x15d: {  	_ =	swait.ge [sflag:s20], $0x4800  }
0x15e: {  	s25 =	rddreg [dreg:$0x9];
	[sflag:s20] =	ssyncset.done $0x0  }
0x15f: {  	s23 =	simm.s32 $0x18800;
	[sflag:s20] =	ssyncadd.s32 $0xFFFFB800;
	s1 =	sadd.s32 s18, s25  }
0x160: {  	[hbm4b:s1+s3] =	stream.linear.scatter [tilespmem:s23], [sflag:$0xC], $0x4800, $0x38;
	[tilespmem:$0x1D000] =	vst v63  }
0x161: {  	_ =	swait.ge [sflag:s0], $0x4800  }
0x162: {  	[sflag:s0] =	ssyncset.done $0x0  }
0x163: {  	[sflag:s0] =	ssyncadd.s32 $0xFFFFB800  }
0x164: {  	v3 =	vld [tilespmem:s26+$0xFFFFFE00];
	_ =	sdelay $0x4  }
0x165: {  	v59 =	vshrl.u32 v3, $0x3  }
0x166: {  	v4 =	vmul.u32 $0x48, v59  }
0x167: {  	v3 =	vand.u32 $0x7, v3  }
0x168: {  	v3 =	vor.u32 v3, v4  }
0x169: {  	v4 =	vperm.xlane v3, v0;
	_ =	sdelay $0x1  }
0x16a: {  	v4 =	vadd.s32 v1, v4;
	_ =	sdelay $0x3  }
0x16b: {  	s25 =	simm.s32 $0x14000  }
0x16c: {  	[tilespmem:s25], [sflag:$0x5] =	stream.indirect_vreg.gather [hbm4b:s2+s3], $0x80, v4, vm0, $0xb8;
	[tilespmem:$0x1D000] =	vst v63  }
0x16d: {  	s13 =	simm.s32 $0x14800  }
0x16e: {  	[tilespmem:s13], [sflag:$0x5] =	stream.indirect_vreg.gather [hbm4b:s5+s3], $0x80, v4, vm0, $0xb8;
	[tilespmem:$0x1D000] =	vst v63  }
0x16f: {  	v3 =	vperm.xlane v3, v2;
	s13 =	simm.s32 $0x15000  }
0x170: {  	[tilespmem:s13], [sflag:$0x5] =	stream.indirect_vreg.gather [hbm4b:s6+s3], $0x80, v4, vm0, $0xb8;
	[tilespmem:$0x1D000] =	vst v63  }
0x171: {  	v3 =	vadd.s32 v1, v3;
	s13 =	simm.s32 $0x15800  }
0x172: {  	[tilespmem:s13], [sflag:$0x5] =	stream.indirect_vreg.gather [hbm4b:s7+s3], $0x80, v4, vm0, $0xb8;
	[tilespmem:$0x1D000] =	vst v63  }
0x173: {  	s13 =	simm.s32 $0x16000  }
0x174: {  	[tilespmem:s13], [sflag:$0x5] =	stream.indirect_vreg.gather [hbm4b:s8+s3], $0x80, v4, vm1, $0xb8;
	[tilespmem:$0x1D000] =	vst v63  }
0x175: {  	s13 =	simm.s32 $0x16400  }
0x176: {  	[tilespmem:s13], [sflag:$0x5] =	stream.indirect_vreg.gather [hbm4b:s2+s3], $0x80, v3, vm0, $0xb8;
	[tilespmem:$0x1D000] =	vst v63  }
0x177: {  	s13 =	simm.s32 $0x16C00  }
0x178: {  	[tilespmem:s13], [sflag:$0x5] =	stream.indirect_vreg.gather [hbm4b:s5+s3], $0x80, v3, vm0, $0xb8;
	[tilespmem:$0x1D000] =	vst v63  }
0x179: {  	s13 =	simm.s32 $0x17400  }
0x17a: {  	[tilespmem:s13], [sflag:$0x5] =	stream.indirect_vreg.gather [hbm4b:s6+s3], $0x80, v3, vm0, $0xb8;
	[tilespmem:$0x1D000] =	vst v63  }
0x17b: {  	s13 =	simm.s32 $0x17C00  }
0x17c: {  	[tilespmem:s13], [sflag:$0x5] =	stream.indirect_vreg.gather [hbm4b:s7+s3], $0x80, v3, vm0, $0xb8;
	[tilespmem:$0x1D000] =	vst v63  }
0x17d: {  	s13 =	simm.s32 $0x18400  }
0x17e: {  	[tilespmem:s13], [sflag:$0x5] =	stream.indirect_vreg.gather [hbm4b:s8+s3], $0x80, v3, vm1, $0xb8;
	[tilespmem:$0x1D000] =	vst v63  }
0x17f: {  	_ =	swait.ge [sflag:s22], $0x4800  }
0x180: {  	s13 =	rddreg [dreg:$0x6];
	[sflag:s22] =	ssyncset.done $0x0  }
0x181: {  	[sflag:s22] =	ssyncadd.s32 $0xFFFFB800;
	s1 =	sadd.s32 s18, s13;
	s13 =	simm.s32 $0x2000  }
0x182: {  	[hbm4b:s1+s3] =	stream.linear.scatter [tilespmem:s13], [sflag:$0x7], $0x4800, $0x38;
	[tilespmem:$0x1D000] =	vst v63  }
0x183: {  	_ =	swait.ge [sflag:s17], $0x4800  }
0x184: {  	[sflag:s17] =	ssyncset.done $0x0  }
0x185: {  	[sflag:s17] =	ssyncadd.s32 $0xFFFFB800  }
0x186: {  	v3 =	vld [tilespmem:s26+$0xFFFFFE80];
	_ =	sdelay $0x4  }
0x187: {  	v60 =	vshrl.u32 v3, $0x3  }
0x188: {  	v4 =	vmul.u32 $0x48, v60  }
0x189: {  	v3 =	vand.u32 $0x7, v3  }
0x18a: {  	v3 =	vor.u32 v3, v4  }
0x18b: {  	v4 =	vperm.xlane v3, v0;
	_ =	sdelay $0x1  }
0x18c: {  	v4 =	vadd.s32 v1, v4;
	_ =	sdelay $0x4  }
0x18d: {  	[tilespmem:s23], [sflag:$0x6] =	stream.indirect_vreg.gather [hbm4b:s2+s3], $0x80, v4, vm0, $0xb8;
	[tilespmem:$0x1D000] =	vst v63  }
0x18e: {  	s23 =	simm.s32 $0x19000  }
0x18f: {  	[tilespmem:s23], [sflag:$0x6] =	stream.indirect_vreg.gather [hbm4b:s5+s3], $0x80, v4, vm0, $0xb8;
	[tilespmem:$0x1D000] =	vst v63  }
0x190: {  	v3 =	vperm.xlane v3, v2;
	s23 =	simm.s32 $0x19800  }
0x191: {  	[tilespmem:s23], [sflag:$0x6] =	stream.indirect_vreg.gather [hbm4b:s6+s3], $0x80, v4, vm0, $0xb8;
	[tilespmem:$0x1D000] =	vst v63  }
0x192: {  	v3 =	vadd.s32 v1, v3;
	s23 =	simm.s32 $0x1A000  }
0x193: {  	[tilespmem:s23], [sflag:$0x6] =	stream.indirect_vreg.gather [hbm4b:s7+s3], $0x80, v4, vm0, $0xb8;
	[tilespmem:$0x1D000] =	vst v63  }
0x194: {  	s23 =	simm.s32 $0x1A800  }
0x195: {  	[tilespmem:s23], [sflag:$0x6] =	stream.indirect_vreg.gather [hbm4b:s8+s3], $0x80, v4, vm1, $0xb8;
	[tilespmem:$0x1D000] =	vst v63  }
0x196: {  	s23 =	simm.s32 $0x1AC00  }
0x197: {  	[tilespmem:s23], [sflag:$0x6] =	stream.indirect_vreg.gather [hbm4b:s2+s3], $0x80, v3, vm0, $0xb8;
	[tilespmem:$0x1D000] =	vst v63  }
0x198: {  	s23 =	simm.s32 $0x1B400  }
0x199: {  	[tilespmem:s23], [sflag:$0x6] =	stream.indirect_vreg.gather [hbm4b:s5+s3], $0x80, v3, vm0, $0xb8;
	[tilespmem:$0x1D000] =	vst v63  }
0x19a: {  	s23 =	simm.s32 $0x1BC00  }
0x19b: {  	[tilespmem:s23], [sflag:$0x6] =	stream.indirect_vreg.gather [hbm4b:s6+s3], $0x80, v3, vm0, $0xb8;
	[tilespmem:$0x1D000] =	vst v63  }
0x19c: {  	s23 =	simm.s32 $0x1C400  }
0x19d: {  	[tilespmem:s23], [sflag:$0x6] =	stream.indirect_vreg.gather [hbm4b:s7+s3], $0x80, v3, vm0, $0xb8;
	[tilespmem:$0x1D000] =	vst v63  }
0x19e: {  	s23 =	simm.s32 $0x1CC00  }
0x19f: {  	[tilespmem:s23], [sflag:$0x6] =	stream.indirect_vreg.gather [hbm4b:s8+s3], $0x80, v3, vm1, $0xb8;
	[tilespmem:$0x1D000] =	vst v63  }
0x1a0: {  	_ =	swait.ge [sflag:s11], $0x4800  }
0x1a1: {  	s23 =	rddreg [dreg:$0x8];
	[sflag:s11] =	ssyncset.done $0x0  }
0x1a2: {  	[sflag:s11] =	ssyncadd.s32 $0xFFFFB800;
	s1 =	sadd.s32 s18, s23;
	s23 =	simm.s32 $0x6800  }
0x1a3: {  	[hbm4b:s1+s3] =	stream.linear.scatter [tilespmem:s23], [sflag:$0x8], $0x4800, $0x38;
	[tilespmem:$0x1D000] =	vst v63  }
0x1a4: {  	_ =	swait.ge [sflag:s12], $0x4800  }
0x1a5: {  	[sflag:s12] =	ssyncset.done $0x0  }
0x1a6: {  	[sflag:s12] =	ssyncadd.s32 $0xFFFFB800  }
0x1a7: {  	v3 =	vld [tilespmem:s26+$0xFFFFFF00];
	_ =	sdelay $0x4  }
0x1a8: {  	v61 =	vshrl.u32 v3, $0x3  }
0x1a9: {  	v4 =	vmul.u32 $0x48, v61  }
0x1aa: {  	v3 =	vand.u32 $0x7, v3  }
0x1ab: {  	v3 =	vor.u32 v3, v4  }
0x1ac: {  	v4 =	vperm.xlane v3, v0;
	_ =	sdelay $0x1  }
0x1ad: {  	v4 =	vadd.s32 v1, v4;
	_ =	sdelay $0x4  }
0x1ae: {  	[tilespmem:s13], [sflag:$0x1] =	stream.indirect_vreg.gather [hbm4b:s2+s3], $0x80, v4, vm0, $0xb8;
	[tilespmem:$0x1D000] =	vst v63  }
0x1af: {  	s13 =	simm.s32 $0x2800  }
0x1b0: {  	[tilespmem:s13], [sflag:$0x1] =	stream.indirect_vreg.gather [hbm4b:s5+s3], $0x80, v4, vm0, $0xb8;
	[tilespmem:$0x1D000] =	vst v63  }
0x1b1: {  	v3 =	vperm.xlane v3, v2;
	s13 =	simm.s32 $0x3000  }
0x1b2: {  	[tilespmem:s13], [sflag:$0x1] =	stream.indirect_vreg.gather [hbm4b:s6+s3], $0x80, v4, vm0, $0xb8;
	[tilespmem:$0x1D000] =	vst v63  }
0x1b3: {  	v3 =	vadd.s32 v1, v3;
	s13 =	simm.s32 $0x3800  }
0x1b4: {  	[tilespmem:s13], [sflag:$0x1] =	stream.indirect_vreg.gather [hbm4b:s7+s3], $0x80, v4, vm0, $0xb8;
	[tilespmem:$0x1D000] =	vst v63  }
0x1b5: {  	s13 =	simm.s32 $0x4000  }
0x1b6: {  	[tilespmem:s13], [sflag:$0x1] =	stream.indirect_vreg.gather [hbm4b:s8+s3], $0x80, v4, vm1, $0xb8;
	[tilespmem:$0x1D000] =	vst v63  }
0x1b7: {  	s13 =	simm.s32 $0x4400  }
0x1b8: {  	[tilespmem:s13], [sflag:$0x1] =	stream.indirect_vreg.gather [hbm4b:s2+s3], $0x80, v3, vm0, $0xb8;
	[tilespmem:$0x1D000] =	vst v63  }
0x1b9: {  	s13 =	simm.s32 $0x4C00  }
0x1ba: {  	[tilespmem:s13], [sflag:$0x1] =	stream.indirect_vreg.gather [hbm4b:s5+s3], $0x80, v3, vm0, $0xb8;
	[tilespmem:$0x1D000] =	vst v63  }
0x1bb: {  	s13 =	simm.s32 $0x5400  }
0x1bc: {  	[tilespmem:s13], [sflag:$0x1] =	stream.indirect_vreg.gather [hbm4b:s6+s3], $0x80, v3, vm0, $0xb8;
	[tilespmem:$0x1D000] =	vst v63  }
0x1bd: {  	s13 =	simm.s32 $0x5C00  }
0x1be: {  	[tilespmem:s13], [sflag:$0x1] =	stream.indirect_vreg.gather [hbm4b:s7+s3], $0x80, v3, vm0, $0xb8;
	[tilespmem:$0x1D000] =	vst v63  }
0x1bf: {  	s13 =	simm.s32 $0x6400  }
0x1c0: {  	[tilespmem:s13], [sflag:$0x1] =	stream.indirect_vreg.gather [hbm4b:s8+s3], $0x80, v3, vm1, $0xb8;
	[tilespmem:$0x1D000] =	vst v63  }
0x1c1: {  	_ =	swait.ge [sflag:s9], $0x4800  }
0x1c2: {  	s13 =	rddreg [dreg:$0x7];
	[sflag:s9] =	ssyncset.done $0x0  }
0x1c3: {  	[sflag:s9] =	ssyncadd.s32 $0xFFFFB800;
	s1 =	sadd.s32 s18, s13;
	s13 =	simm.s32 $0xB000  }
0x1c4: {  	[hbm4b:s1+s3] =	stream.linear.scatter [tilespmem:s13], [sflag:$0x9], $0x4800, $0x38;
	[tilespmem:$0x1D000] =	vst v63  }
0x1c5: {  	_ =	swait.ge [sflag:s14], $0x4800  }
0x1c6: {  	[sflag:s14] =	ssyncset.done $0x0  }
0x1c7: {  	[sflag:s14] =	ssyncadd.s32 $0xFFFFB800  }
0x1c8: {  	v3 =	vld [tilespmem:s26+$0xFFFFFF80];
	_ =	sdelay $0x4  }
0x1c9: {  	v62 =	vshrl.u32 v3, $0x3  }
0x1ca: {  	v4 =	vmul.u32 $0x48, v62  }
0x1cb: {  	v3 =	vand.u32 $0x7, v3  }
0x1cc: {  	v3 =	vor.u32 v3, v4  }
0x1cd: {  	v4 =	vperm.xlane v3, v0;
	_ =	sdelay $0x1  }
0x1ce: {  	v4 =	vadd.s32 v1, v4;
	_ =	sdelay $0x4  }
0x1cf: {  	[tilespmem:s23], [sflag:$0x2] =	stream.indirect_vreg.gather [hbm4b:s2+s3], $0x80, v4, vm0, $0xb8;
	[tilespmem:$0x1D000] =	vst v63  }
0x1d0: {  	s23 =	simm.s32 $0x7000  }
0x1d1: {  	[tilespmem:s23], [sflag:$0x2] =	stream.indirect_vreg.gather [hbm4b:s5+s3], $0x80, v4, vm0, $0xb8;
	[tilespmem:$0x1D000] =	vst v63  }
0x1d2: {  	v3 =	vperm.xlane v3, v2;
	s23 =	simm.s32 $0x7800  }
0x1d3: {  	[tilespmem:s23], [sflag:$0x2] =	stream.indirect_vreg.gather [hbm4b:s6+s3], $0x80, v4, vm0, $0xb8;
	[tilespmem:$0x1D000] =	vst v63  }
0x1d4: {  	v3 =	vadd.s32 v1, v3;
	s23 =	simm.s32 $0x8000  }
0x1d5: {  	[tilespmem:s23], [sflag:$0x2] =	stream.indirect_vreg.gather [hbm4b:s7+s3], $0x80, v4, vm0, $0xb8;
	[tilespmem:$0x1D000] =	vst v63  }
0x1d6: {  	s23 =	simm.s32 $0x8800  }
0x1d7: {  	[tilespmem:s23], [sflag:$0x2] =	stream.indirect_vreg.gather [hbm4b:s8+s3], $0x80, v4, vm1, $0xb8;
	[tilespmem:$0x1D000] =	vst v63  }
0x1d8: {  	s23 =	simm.s32 $0x8C00  }
0x1d9: {  	[tilespmem:s23], [sflag:$0x2] =	stream.indirect_vreg.gather [hbm4b:s2+s3], $0x80, v3, vm0, $0xb8;
	[tilespmem:$0x1D000] =	vst v63  }
0x1da: {  	s23 =	simm.s32 $0x9400  }
0x1db: {  	[tilespmem:s23], [sflag:$0x2] =	stream.indirect_vreg.gather [hbm4b:s5+s3], $0x80, v3, vm0, $0xb8;
	[tilespmem:$0x1D000] =	vst v63  }
0x1dc: {  	s23 =	simm.s32 $0x9C00  }
0x1dd: {  	[tilespmem:s23], [sflag:$0x2] =	stream.indirect_vreg.gather [hbm4b:s6+s3], $0x80, v3, vm0, $0xb8;
	[tilespmem:$0x1D000] =	vst v63  }
0x1de: {  	s23 =	simm.s32 $0xA400  }
0x1df: {  	[tilespmem:s23], [sflag:$0x2] =	stream.indirect_vreg.gather [hbm4b:s7+s3], $0x80, v3, vm0, $0xb8;
	[tilespmem:$0x1D000] =	vst v63  }
0x1e0: {  	s23 =	simm.s32 $0xAC00  }
0x1e1: {  	[tilespmem:s23], [sflag:$0x2] =	stream.indirect_vreg.gather [hbm4b:s8+s3], $0x80, v3, vm1, $0xb8;
	[tilespmem:$0x1D000] =	vst v63  }
0x1e2: {  	_ =	swait.ge [sflag:s31], $0x4800  }
0x1e3: {  	s23 =	rddreg [dreg:$0x4];
	[sflag:s31] =	ssyncset.done $0x0  }
0x1e4: {  	[sflag:s31] =	ssyncadd.s32 $0xFFFFB800;
	s1 =	sadd.s32 s18, s23  }
0x1e5: {  	[hbm4b:s1+s3] =	stream.linear.scatter [tilespmem:s30], [sflag:$0xA], $0x4800, $0x38;
	[tilespmem:$0x1D000] =	vst v63  }
0x1e6: {  	_ =	swait.ge [sflag:s15], $0x4800  }
0x1e7: {  	[sflag:s15] =	ssyncset.done $0x0  }
0x1e8: {  	[sflag:s15] =	ssyncadd.s32 $0xFFFFB800  }
0x1e9: {  	v3 =	vld [tilespmem:s26+$0x0];
	_ =	sdelay $0x4  }
0x1ea: {  	v63 =	vshrl.u32 v3, $0x3  }
0x1eb: {  	v4 =	vmul.u32 $0x48, v63  }
0x1ec: {  	v3 =	vand.u32 $0x7, v3  }
0x1ed: {  	v3 =	vor.u32 v3, v4  }
0x1ee: {  	v4 =	vperm.xlane v3, v0;
	_ =	sdelay $0x1  }
0x1ef: {  	v4 =	vadd.s32 v1, v4;
	_ =	sdelay $0x4  }
0x1f0: {  	[tilespmem:s13], [sflag:$0x3] =	stream.indirect_vreg.gather [hbm4b:s2+s3], $0x80, v4, vm0, $0xb8;
	[tilespmem:$0x1D000] =	vst v63  }
0x1f1: {  	s30 =	simm.s32 $0xB800  }
0x1f2: {  	[tilespmem:s30], [sflag:$0x3] =	stream.indirect_vreg.gather [hbm4b:s5+s3], $0x80, v4, vm0, $0xb8;
	[tilespmem:$0x1D000] =	vst v63  }
0x1f3: {  	v3 =	vperm.xlane v3, v2;
	s13 =	simm.s32 $0xC000  }
0x1f4: {  	[tilespmem:s13], [sflag:$0x3] =	stream.indirect_vreg.gather [hbm4b:s6+s3], $0x80, v4, vm0, $0xb8;
	[tilespmem:$0x1D000] =	vst v63  }
0x1f5: {  	s23 =	simm.s32 $0xC800;
	v3 =	vadd.s32 v1, v3  }
0x1f6: {  	[tilespmem:s23], [sflag:$0x3] =	stream.indirect_vreg.gather [hbm4b:s7+s3], $0x80, v4, vm0, $0xb8;
	[tilespmem:$0x1D000] =	vst v63  }
0x1f7: {  	s30 =	simm.s32 $0xD000  }
0x1f8: {  	[tilespmem:s30], [sflag:$0x3] =	stream.indirect_vreg.gather [hbm4b:s8+s3], $0x80, v4, vm1, $0xb8;
	[tilespmem:$0x1D000] =	vst v63  }
0x1f9: {  	s13 =	simm.s32 $0xD400  }
0x1fa: {  	[tilespmem:s13], [sflag:$0x3] =	stream.indirect_vreg.gather [hbm4b:s2+s3], $0x80, v3, vm0, $0xb8;
	[tilespmem:$0x1D000] =	vst v63  }
0x1fb: {  	s23 =	simm.s32 $0xDC00  }
0x1fc: {  	[tilespmem:s23], [sflag:$0x3] =	stream.indirect_vreg.gather [hbm4b:s5+s3], $0x80, v3, vm0, $0xb8;
	[tilespmem:$0x1D000] =	vst v63  }
0x1fd: {  	s30 =	simm.s32 $0xE400  }
0x1fe: {  	[tilespmem:s30], [sflag:$0x3] =	stream.indirect_vreg.gather [hbm4b:s6+s3], $0x80, v3, vm0, $0xb8;
	[tilespmem:$0x1D000] =	vst v63  }
0x1ff: {  	s13 =	simm.s32 $0xEC00  }
0x200: {  	[tilespmem:s13], [sflag:$0x3] =	stream.indirect_vreg.gather [hbm4b:s7+s3], $0x80, v3, vm0, $0xb8;
	[tilespmem:$0x1D000] =	vst v63  }
0x201: {  	p0 =	sne.s32 s18, $0x17A00;
	s23 =	simm.s32 $0xF400  }
0x202: {  	[tilespmem:s23], [sflag:$0x3] =	stream.indirect_vreg.gather [hbm4b:s8+s3], $0x80, v3, vm1, $0xb8;
	[tilespmem:$0x1D000] =	vst v63  }
.Ltmp0:
0x203: {  	_ = 	snop;
	(pc) =	sbr.rel @p0 .LBB2_2-.Ltmp0, $4  }
0x204: {  	_ =	swait.ge [sflag:s24], $0x4800  }
0x205: {  	s26 =	sadd.s32 $0x300, s26;
	s30 =	rddreg [dreg:$0x5];
	[sflag:s24] =	ssyncset.done $0x0  }
0x206: {  	[sflag:s24] =	ssyncadd.s32 $0xFFFFB800;
	s1 =	sadd.s32 s18, s30;
	s18 =	sadd.s32 $0x3600, s18  }
0x207: {  	[hbm4b:s1+s3] =	stream.linear.scatter [tilespmem:s25], [sflag:$0xB], $0x4800, $0x38;
	[tilespmem:$0x1D000] =	vst v63  }
0x208: {  	_ =	swait.ge [sflag:s16], $0x4800  }
0x209: {  	[sflag:s16] =	ssyncset.done $0x0  }
0x20a: {  	[sflag:s16] =	ssyncadd.s32 $0xFFFFB800  }
0x20b: {  	v3 =	vld [tilespmem:$0x1C80];
	_ =	sdelay $0x4  }
0x20c: {  	v4 =	vshrl.u32 v3, $0x3  }
0x20d: {  	v4 =	vmul.u32 $0x48, v4  }
0x20e: {  	v3 =	vand.u32 $0x7, v3  }
0x20f: {  	v3 =	vor.u32 v3, v4  }
0x210: {  	v4 =	vperm.xlane v3, v0;
	_ =	sdelay $0x1  }
0x211: {  	v4 =	vadd.s32 v1, v4;
	_ =	sdelay $0x3  }
0x212: {  	s26 =	simm.s32 $0xF800  }
0x213: {  	[tilespmem:s26], [sflag:$0x4] =	stream.indirect_vreg.gather [hbm4b:s2+s3], $0x80, v4, vm0, $0xb8;
	[tilespmem:$0x1D000] =	vst v63  }
0x214: {  	s19 =	simm.s32 $0x10000  }
0x215: {  	[tilespmem:s19], [sflag:$0x4] =	stream.indirect_vreg.gather [hbm4b:s5+s3], $0x80, v4, vm0, $0xb8;
	[tilespmem:$0x1D000] =	vst v63  }
0x216: {  	s4 =	simm.s32 $0x10800;
	v3 =	vperm.xlane v3, v2  }
0x217: {  	[tilespmem:s4], [sflag:$0x4] =	stream.indirect_vreg.gather [hbm4b:s6+s3], $0x80, v4, vm0, $0xb8;
	[tilespmem:$0x1D000] =	vst v63  }
0x218: {  	s21 =	simm.s32 $0x11000;
	v3 =	vadd.s32 v1, v3  }
0x219: {  	[tilespmem:s21], [sflag:$0x4] =	stream.indirect_vreg.gather [hbm4b:s7+s3], $0x80, v4, vm0, $0xb8;
	[tilespmem:$0x1D000] =	vst v63  }
0x21a: {  	s28 =	simm.s32 $0x11800  }
0x21b: {  	[tilespmem:s28], [sflag:$0x4] =	stream.indirect_vreg.gather [hbm4b:s8+s3], $0x80, v4, vm1, $0xb8;
	[tilespmem:$0x1D000] =	vst v63  }
0x21c: {  	s1 =	simm.s32 $0x11C00  }
0x21d: {  	[tilespmem:s1], [sflag:$0x4] =	stream.indirect_vreg.gather [hbm4b:s2+s3], $0x80, v3, vm0, $0xb8;
	[tilespmem:$0x1D000] =	vst v63  }
0x21e: {  	s30 =	simm.s32 $0x12400  }
0x21f: {  	[tilespmem:s30], [sflag:$0x4] =	stream.indirect_vreg.gather [hbm4b:s5+s3], $0x80, v3, vm0, $0xb8;
	[tilespmem:$0x1D000] =	vst v63  }
0x220: {  	s10 =	simm.s32 $0x12C00  }
0x221: {  	[tilespmem:s10], [sflag:$0x4] =	stream.indirect_vreg.gather [hbm4b:s6+s3], $0x80, v3, vm0, $0xb8;
	[tilespmem:$0x1D000] =	vst v63  }
0x222: {  	s25 =	simm.s32 $0x13400  }
0x223: {  	[tilespmem:s25], [sflag:$0x4] =	stream.indirect_vreg.gather [hbm4b:s7+s3], $0x80, v3, vm0, $0xb8;
	[tilespmem:$0x1D000] =	vst v63  }
0x224: {  	s13 =	simm.s32 $0x13C00  }
0x225: {  	[tilespmem:s13], [sflag:$0x4] =	stream.indirect_vreg.gather [hbm4b:s8+s3], $0x80, v3, vm1, $0xb8;
	[tilespmem:$0x1D000] =	vst v63  }
0x226: {  	_ =	swait.ge [sflag:s20], $0x4800  }
0x227: {  	[sflag:s20] =	ssyncset.done $0x0  }
0x228: {  	s30 =	simm.s32 $0x18800;
	s18 =	rddreg [dreg:$0x10];
	[sflag:s20] =	ssyncadd.s32 $0xFFFFB800  }
0x229: {  	[hbm4b:s18+s3] =	stream.linear.scatter [tilespmem:s30], [sflag:$0xC], $0x4800, $0x38;
	[tilespmem:$0x1D000] =	vst v63  }
0x22a: {  	_ =	swait.ge [sflag:s0], $0x4800  }
0x22b: {  	[sflag:s0] =	ssyncset.done $0x0  }
0x22c: {  	[sflag:s0] =	ssyncadd.s32 $0xFFFFB800  }
0x22d: {  	v3 =	vld [tilespmem:$0x1D00];
	_ =	sdelay $0x4  }
0x22e: {  	v58 =	vshrl.u32 v3, $0x3  }
0x22f: {  	v4 =	vmul.u32 $0x48, v58  }
0x230: {  	v3 =	vand.u32 $0x7, v3  }
0x231: {  	v3 =	vor.u32 v3, v4  }
0x232: {  	v4 =	vperm.xlane v3, v0;
	_ =	sdelay $0x1  }
0x233: {  	v4 =	vadd.s32 v1, v4;
	_ =	sdelay $0x3  }
0x234: {  	s10 =	simm.s32 $0x14000  }
0x235: {  	[tilespmem:s10], [sflag:$0x5] =	stream.indirect_vreg.gather [hbm4b:s2+s3], $0x80, v4, vm0, $0xb8;
	[tilespmem:$0x1D000] =	vst v63  }
0x236: {  	s23 =	simm.s32 $0x14800  }
0x237: {  	[tilespmem:s23], [sflag:$0x5] =	stream.indirect_vreg.gather [hbm4b:s5+s3], $0x80, v4, vm0, $0xb8;
	[tilespmem:$0x1D000] =	vst v63  }
0x238: {  	s13 =	simm.s32 $0x15000;
	v3 =	vperm.xlane v3, v2  }
0x239: {  	[tilespmem:s13], [sflag:$0x5] =	stream.indirect_vreg.gather [hbm4b:s6+s3], $0x80, v4, vm0, $0xb8;
	[tilespmem:$0x1D000] =	vst v63  }
0x23a: {  	s18 =	simm.s32 $0x15800;
	v3 =	vadd.s32 v1, v3  }
0x23b: {  	[tilespmem:s18], [sflag:$0x5] =	stream.indirect_vreg.gather [hbm4b:s7+s3], $0x80, v4, vm0, $0xb8;
	[tilespmem:$0x1D000] =	vst v63  }
0x23c: {  	s23 =	simm.s32 $0x16000  }
0x23d: {  	[tilespmem:s23], [sflag:$0x5] =	stream.indirect_vreg.gather [hbm4b:s8+s3], $0x80, v4, vm1, $0xb8;
	[tilespmem:$0x1D000] =	vst v63  }
0x23e: {  	s13 =	simm.s32 $0x16400  }
0x23f: {  	[tilespmem:s13], [sflag:$0x5] =	stream.indirect_vreg.gather [hbm4b:s2+s3], $0x80, v3, vm0, $0xb8;
	[tilespmem:$0x1D000] =	vst v63  }
0x240: {  	s18 =	simm.s32 $0x16C00  }
0x241: {  	[tilespmem:s18], [sflag:$0x5] =	stream.indirect_vreg.gather [hbm4b:s5+s3], $0x80, v3, vm0, $0xb8;
	[tilespmem:$0x1D000] =	vst v63  }
0x242: {  	s23 =	simm.s32 $0x17400  }
0x243: {  	[tilespmem:s23], [sflag:$0x5] =	stream.indirect_vreg.gather [hbm4b:s6+s3], $0x80, v3, vm0, $0xb8;
	[tilespmem:$0x1D000] =	vst v63  }
0x244: {  	s13 =	simm.s32 $0x17C00  }
0x245: {  	[tilespmem:s13], [sflag:$0x5] =	stream.indirect_vreg.gather [hbm4b:s7+s3], $0x80, v3, vm0, $0xb8;
	[tilespmem:$0x1D000] =	vst v63  }
0x246: {  	s18 =	simm.s32 $0x18400  }
0x247: {  	[tilespmem:s18], [sflag:$0x5] =	stream.indirect_vreg.gather [hbm4b:s8+s3], $0x80, v3, vm1, $0xb8;
	[tilespmem:$0x1D000] =	vst v63  }
0x248: {  	_ =	swait.ge [sflag:s22], $0x4800  }
0x249: {  	[sflag:s22] =	ssyncset.done $0x0  }
0x24a: {  	s18 =	simm.s32 $0x2000;
	s23 =	rddreg [dreg:$0x11];
	[sflag:s22] =	ssyncadd.s32 $0xFFFFB800  }
0x24b: {  	[hbm4b:s23+s3] =	stream.linear.scatter [tilespmem:s18], [sflag:$0x7], $0x4800, $0x38;
	[tilespmem:$0x1D000] =	vst v63  }
0x24c: {  	_ =	swait.ge [sflag:s17], $0x4800  }
0x24d: {  	[sflag:s17] =	ssyncset.done $0x0  }
0x24e: {  	[sflag:s17] =	ssyncadd.s32 $0xFFFFB800  }
0x24f: {  	v3 =	vld [tilespmem:$0x1D80];
	_ =	sdelay $0x4  }
0x250: {  	v59 =	vshrl.u32 v3, $0x3  }
0x251: {  	v4 =	vmul.u32 $0x48, v59  }
0x252: {  	v3 =	vand.u32 $0x7, v3  }
0x253: {  	v3 =	vor.u32 v3, v4  }
0x254: {  	v4 =	vperm.xlane v3, v0;
	_ =	sdelay $0x1  }
0x255: {  	v4 =	vadd.s32 v1, v4;
	_ =	sdelay $0x4  }
0x256: {  	[tilespmem:s30], [sflag:$0x6] =	stream.indirect_vreg.gather [hbm4b:s2+s3], $0x80, v4, vm0, $0xb8;
	[tilespmem:$0x1D000] =	vst v63  }
0x257: {  	s13 =	simm.s32 $0x19000  }
0x258: {  	[tilespmem:s13], [sflag:$0x6] =	stream.indirect_vreg.gather [hbm4b:s5+s3], $0x80, v4, vm0, $0xb8;
	[tilespmem:$0x1D000] =	vst v63  }
0x259: {  	s23 =	simm.s32 $0x19800;
	v3 =	vperm.xlane v3, v2  }
0x25a: {  	[tilespmem:s23], [sflag:$0x6] =	stream.indirect_vreg.gather [hbm4b:s6+s3], $0x80, v4, vm0, $0xb8;
	[tilespmem:$0x1D000] =	vst v63  }
0x25b: {  	v3 =	vadd.s32 v1, v3;
	s13 =	simm.s32 $0x1A000  }
0x25c: {  	[tilespmem:s13], [sflag:$0x6] =	stream.indirect_vreg.gather [hbm4b:s7+s3], $0x80, v4, vm0, $0xb8;
	[tilespmem:$0x1D000] =	vst v63  }
0x25d: {  	s23 =	simm.s32 $0x1A800  }
0x25e: {  	[tilespmem:s23], [sflag:$0x6] =	stream.indirect_vreg.gather [hbm4b:s8+s3], $0x80, v4, vm1, $0xb8;
	[tilespmem:$0x1D000] =	vst v63  }
0x25f: {  	s13 =	simm.s32 $0x1AC00  }
0x260: {  	[tilespmem:s13], [sflag:$0x6] =	stream.indirect_vreg.gather [hbm4b:s2+s3], $0x80, v3, vm0, $0xb8;
	[tilespmem:$0x1D000] =	vst v63  }
0x261: {  	s23 =	simm.s32 $0x1B400  }
0x262: {  	[tilespmem:s23], [sflag:$0x6] =	stream.indirect_vreg.gather [hbm4b:s5+s3], $0x80, v3, vm0, $0xb8;
	[tilespmem:$0x1D000] =	vst v63  }
0x263: {  	s13 =	simm.s32 $0x1BC00  }
0x264: {  	[tilespmem:s13], [sflag:$0x6] =	stream.indirect_vreg.gather [hbm4b:s6+s3], $0x80, v3, vm0, $0xb8;
	[tilespmem:$0x1D000] =	vst v63  }
0x265: {  	s23 =	simm.s32 $0x1C400  }
0x266: {  	[tilespmem:s23], [sflag:$0x6] =	stream.indirect_vreg.gather [hbm4b:s7+s3], $0x80, v3, vm0, $0xb8;
	[tilespmem:$0x1D000] =	vst v63  }
0x267: {  	s13 =	simm.s32 $0x1CC00  }
0x268: {  	[tilespmem:s13], [sflag:$0x6] =	stream.indirect_vreg.gather [hbm4b:s8+s3], $0x80, v3, vm1, $0xb8;
	[tilespmem:$0x1D000] =	vst v63  }
0x269: {  	_ =	swait.ge [sflag:s11], $0x4800  }
0x26a: {  	[sflag:s11] =	ssyncset.done $0x0  }
0x26b: {  	s13 =	simm.s32 $0x6800;
	s23 =	rddreg [dreg:$0x12];
	[sflag:s11] =	ssyncadd.s32 $0xFFFFB800  }
0x26c: {  	[hbm4b:s23+s3] =	stream.linear.scatter [tilespmem:s13], [sflag:$0x8], $0x4800, $0x38;
	[tilespmem:$0x1D000] =	vst v63  }
0x26d: {  	_ =	swait.ge [sflag:s12], $0x4800  }
0x26e: {  	[sflag:s12] =	ssyncset.done $0x0  }
0x26f: {  	[sflag:s12] =	ssyncadd.s32 $0xFFFFB800  }
0x270: {  	v3 =	vld [tilespmem:$0x1E00];
	_ =	sdelay $0x4  }
0x271: {  	v60 =	vshrl.u32 v3, $0x3  }
0x272: {  	v4 =	vmul.u32 $0x48, v60  }
0x273: {  	v3 =	vand.u32 $0x7, v3  }
0x274: {  	v3 =	vor.u32 v3, v4  }
0x275: {  	v4 =	vperm.xlane v3, v0;
	_ =	sdelay $0x1  }
0x276: {  	v4 =	vadd.s32 v1, v4;
	_ =	sdelay $0x4  }
0x277: {  	[tilespmem:s18], [sflag:$0x1] =	stream.indirect_vreg.gather [hbm4b:s2+s3], $0x80, v4, vm0, $0xb8;
	[tilespmem:$0x1D000] =	vst v63  }
0x278: {  	s23 =	simm.s32 $0x2800  }
0x279: {  	[tilespmem:s23], [sflag:$0x1] =	stream.indirect_vreg.gather [hbm4b:s5+s3], $0x80, v4, vm0, $0xb8;
	[tilespmem:$0x1D000] =	vst v63  }
0x27a: {  	v3 =	vperm.xlane v3, v2;
	s23 =	simm.s32 $0x3000  }
0x27b: {  	[tilespmem:s23], [sflag:$0x1] =	stream.indirect_vreg.gather [hbm4b:s6+s3], $0x80, v4, vm0, $0xb8;
	[tilespmem:$0x1D000] =	vst v63  }
0x27c: {  	v3 =	vadd.s32 v1, v3;
	s23 =	simm.s32 $0x3800  }
0x27d: {  	[tilespmem:s23], [sflag:$0x1] =	stream.indirect_vreg.gather [hbm4b:s7+s3], $0x80, v4, vm0, $0xb8;
	[tilespmem:$0x1D000] =	vst v63  }
0x27e: {  	s23 =	simm.s32 $0x4000  }
0x27f: {  	[tilespmem:s23], [sflag:$0x1] =	stream.indirect_vreg.gather [hbm4b:s8+s3], $0x80, v4, vm1, $0xb8;
	[tilespmem:$0x1D000] =	vst v63  }
0x280: {  	s23 =	simm.s32 $0x4400  }
0x281: {  	[tilespmem:s23], [sflag:$0x1] =	stream.indirect_vreg.gather [hbm4b:s2+s3], $0x80, v3, vm0, $0xb8;
	[tilespmem:$0x1D000] =	vst v63  }
0x282: {  	s23 =	simm.s32 $0x4C00  }
0x283: {  	[tilespmem:s23], [sflag:$0x1] =	stream.indirect_vreg.gather [hbm4b:s5+s3], $0x80, v3, vm0, $0xb8;
	[tilespmem:$0x1D000] =	vst v63  }
0x284: {  	s23 =	simm.s32 $0x5400  }
0x285: {  	[tilespmem:s23], [sflag:$0x1] =	stream.indirect_vreg.gather [hbm4b:s6+s3], $0x80, v3, vm0, $0xb8;
	[tilespmem:$0x1D000] =	vst v63  }
0x286: {  	s23 =	simm.s32 $0x5C00  }
0x287: {  	[tilespmem:s23], [sflag:$0x1] =	stream.indirect_vreg.gather [hbm4b:s7+s3], $0x80, v3, vm0, $0xb8;
	[tilespmem:$0x1D000] =	vst v63  }
0x288: {  	s23 =	simm.s32 $0x6400  }
0x289: {  	[tilespmem:s23], [sflag:$0x1] =	stream.indirect_vreg.gather [hbm4b:s8+s3], $0x80, v3, vm1, $0xb8;
	[tilespmem:$0x1D000] =	vst v63  }
0x28a: {  	_ =	swait.ge [sflag:s9], $0x4800  }
0x28b: {  	[sflag:s9] =	ssyncset.done $0x0  }
0x28c: {  	s23 =	simm.s32 $0xB000;
	s1 =	rddreg [dreg:$0x13];
	[sflag:s9] =	ssyncadd.s32 $0xFFFFB800  }
0x28d: {  	[hbm4b:s1+s3] =	stream.linear.scatter [tilespmem:s23], [sflag:$0x9], $0x4800, $0x38;
	[tilespmem:$0x1D000] =	vst v63  }
0x28e: {  	_ =	swait.ge [sflag:s14], $0x4800  }
0x28f: {  	[sflag:s14] =	ssyncset.done $0x0  }
0x290: {  	[sflag:s14] =	ssyncadd.s32 $0xFFFFB800  }
0x291: {  	v3 =	vld [tilespmem:$0x1E80];
	_ =	sdelay $0x4  }
0x292: {  	v61 =	vshrl.u32 v3, $0x3  }
0x293: {  	v4 =	vmul.u32 $0x48, v61  }
0x294: {  	v3 =	vand.u32 $0x7, v3  }
0x295: {  	v3 =	vor.u32 v3, v4  }
0x296: {  	v4 =	vperm.xlane v3, v0;
	_ =	sdelay $0x1  }
0x297: {  	v4 =	vadd.s32 v1, v4;
	_ =	sdelay $0x4  }
0x298: {  	[tilespmem:s13], [sflag:$0x2] =	stream.indirect_vreg.gather [hbm4b:s2+s3], $0x80, v4, vm0, $0xb8;
	[tilespmem:$0x1D000] =	vst v63  }
0x299: {  	s1 =	simm.s32 $0x7000  }
0x29a: {  	[tilespmem:s1], [sflag:$0x2] =	stream.indirect_vreg.gather [hbm4b:s5+s3], $0x80, v4, vm0, $0xb8;
	[tilespmem:$0x1D000] =	vst v63  }
0x29b: {  	v3 =	vperm.xlane v3, v2;
	s1 =	simm.s32 $0x7800  }
0x29c: {  	[tilespmem:s1], [sflag:$0x2] =	stream.indirect_vreg.gather [hbm4b:s6+s3], $0x80, v4, vm0, $0xb8;
	[tilespmem:$0x1D000] =	vst v63  }
0x29d: {  	v3 =	vadd.s32 v1, v3;
	s1 =	simm.s32 $0x8000  }
0x29e: {  	[tilespmem:s1], [sflag:$0x2] =	stream.indirect_vreg.gather [hbm4b:s7+s3], $0x80, v4, vm0, $0xb8;
	[tilespmem:$0x1D000] =	vst v63  }
0x29f: {  	s1 =	simm.s32 $0x8800  }
0x2a0: {  	[tilespmem:s1], [sflag:$0x2] =	stream.indirect_vreg.gather [hbm4b:s8+s3], $0x80, v4, vm1, $0xb8;
	[tilespmem:$0x1D000] =	vst v63  }
0x2a1: {  	s1 =	simm.s32 $0x8C00  }
0x2a2: {  	[tilespmem:s1], [sflag:$0x2] =	stream.indirect_vreg.gather [hbm4b:s2+s3], $0x80, v3, vm0, $0xb8;
	[tilespmem:$0x1D000] =	vst v63  }
0x2a3: {  	s1 =	simm.s32 $0x9400  }
0x2a4: {  	[tilespmem:s1], [sflag:$0x2] =	stream.indirect_vreg.gather [hbm4b:s5+s3], $0x80, v3, vm0, $0xb8;
	[tilespmem:$0x1D000] =	vst v63  }
0x2a5: {  	s1 =	simm.s32 $0x9C00  }
0x2a6: {  	[tilespmem:s1], [sflag:$0x2] =	stream.indirect_vreg.gather [hbm4b:s6+s3], $0x80, v3, vm0, $0xb8;
	[tilespmem:$0x1D000] =	vst v63  }
0x2a7: {  	s1 =	simm.s32 $0xA400  }
0x2a8: {  	[tilespmem:s1], [sflag:$0x2] =	stream.indirect_vreg.gather [hbm4b:s7+s3], $0x80, v3, vm0, $0xb8;
	[tilespmem:$0x1D000] =	vst v63  }
0x2a9: {  	s1 =	simm.s32 $0xAC00  }
0x2aa: {  	[tilespmem:s1], [sflag:$0x2] =	stream.indirect_vreg.gather [hbm4b:s8+s3], $0x80, v3, vm1, $0xb8;
	[tilespmem:$0x1D000] =	vst v63  }
0x2ab: {  	_ =	swait.ge [sflag:s31], $0x4800  }
0x2ac: {  	[sflag:s31] =	ssyncset.done $0x0  }
0x2ad: {  	s1 =	rddreg [dreg:$0x14];
	[sflag:s31] =	ssyncadd.s32 $0xFFFFB800  }
0x2ae: {  	[hbm4b:s1+s3] =	stream.linear.scatter [tilespmem:s26], [sflag:$0xA], $0x4800, $0x38;
	[tilespmem:$0x1D000] =	vst v63  }
0x2af: {  	_ =	swait.ge [sflag:s15], $0x4800  }
0x2b0: {  	[sflag:s15] =	ssyncset.done $0x0  }
0x2b1: {  	[sflag:s15] =	ssyncadd.s32 $0xFFFFB800  }
0x2b2: {  	v3 =	vld [tilespmem:$0x1F00];
	_ =	sdelay $0x4  }
0x2b3: {  	v62 =	vshrl.u32 v3, $0x3  }
0x2b4: {  	v4 =	vmul.u32 $0x48, v62  }
0x2b5: {  	v3 =	vand.u32 $0x7, v3  }
0x2b6: {  	v3 =	vor.u32 v3, v4  }
0x2b7: {  	v4 =	vperm.xlane v3, v0;
	_ =	sdelay $0x1  }
0x2b8: {  	v4 =	vadd.s32 v1, v4;
	_ =	sdelay $0x4  }
0x2b9: {  	[tilespmem:s23], [sflag:$0x3] =	stream.indirect_vreg.gather [hbm4b:s2+s3], $0x80, v4, vm0, $0xb8;
	[tilespmem:$0x1D000] =	vst v63  }
0x2ba: {  	s1 =	simm.s32 $0xB800  }
0x2bb: {  	[tilespmem:s1], [sflag:$0x3] =	stream.indirect_vreg.gather [hbm4b:s5+s3], $0x80, v4, vm0, $0xb8;
	[tilespmem:$0x1D000] =	vst v63  }
0x2bc: {  	v3 =	vperm.xlane v3, v2;
	s1 =	simm.s32 $0xC000  }
0x2bd: {  	[tilespmem:s1], [sflag:$0x3] =	stream.indirect_vreg.gather [hbm4b:s6+s3], $0x80, v4, vm0, $0xb8;
	[tilespmem:$0x1D000] =	vst v63  }
0x2be: {  	v3 =	vadd.s32 v1, v3;
	s1 =	simm.s32 $0xC800  }
0x2bf: {  	[tilespmem:s1], [sflag:$0x3] =	stream.indirect_vreg.gather [hbm4b:s7+s3], $0x80, v4, vm0, $0xb8;
	[tilespmem:$0x1D000] =	vst v63  }
0x2c0: {  	s1 =	simm.s32 $0xD000  }
0x2c1: {  	[tilespmem:s1], [sflag:$0x3] =	stream.indirect_vreg.gather [hbm4b:s8+s3], $0x80, v4, vm1, $0xb8;
	[tilespmem:$0x1D000] =	vst v63  }
0x2c2: {  	s1 =	simm.s32 $0xD400  }
0x2c3: {  	[tilespmem:s1], [sflag:$0x3] =	stream.indirect_vreg.gather [hbm4b:s2+s3], $0x80, v3, vm0, $0xb8;
	[tilespmem:$0x1D000] =	vst v63  }
0x2c4: {  	s1 =	simm.s32 $0xDC00  }
0x2c5: {  	[tilespmem:s1], [sflag:$0x3] =	stream.indirect_vreg.gather [hbm4b:s5+s3], $0x80, v3, vm0, $0xb8;
	[tilespmem:$0x1D000] =	vst v63  }
0x2c6: {  	s1 =	simm.s32 $0xE400  }
0x2c7: {  	[tilespmem:s1], [sflag:$0x3] =	stream.indirect_vreg.gather [hbm4b:s6+s3], $0x80, v3, vm0, $0xb8;
	[tilespmem:$0x1D000] =	vst v63  }
0x2c8: {  	s1 =	simm.s32 $0xEC00  }
0x2c9: {  	[tilespmem:s1], [sflag:$0x3] =	stream.indirect_vreg.gather [hbm4b:s7+s3], $0x80, v3, vm0, $0xb8;
	[tilespmem:$0x1D000] =	vst v63  }
0x2ca: {  	s1 =	simm.s32 $0xF400  }
0x2cb: {  	[tilespmem:s1], [sflag:$0x3] =	stream.indirect_vreg.gather [hbm4b:s8+s3], $0x80, v3, vm1, $0xb8;
	[tilespmem:$0x1D000] =	vst v63  }
0x2cc: {  	_ =	swait.ge [sflag:s24], $0x4800  }
0x2cd: {  	[sflag:s24] =	ssyncset.done $0x0  }
0x2ce: {  	s1 =	rddreg [dreg:$0x15];
	[sflag:s24] =	ssyncadd.s32 $0xFFFFB800  }
0x2cf: {  	[hbm4b:s1+s3] =	stream.linear.scatter [tilespmem:s10], [sflag:$0xB], $0x4800, $0x38;
	[tilespmem:$0x1D000] =	vst v63  }
0x2d0: {  	_ =	swait.ge [sflag:s16], $0x4800  }
0x2d1: {  	[sflag:s16] =	ssyncset.done $0x0  }
0x2d2: {  	[sflag:s16] =	ssyncadd.s32 $0xFFFFB800  }
0x2d3: {  	v3 =	vld [tilespmem:$0x1F80];
	_ =	sdelay $0x4  }
0x2d4: {  	v63 =	vshrl.u32 v3, $0x3  }
0x2d5: {  	v4 =	vmul.u32 $0x48, v63  }
0x2d6: {  	v3 =	vand.u32 $0x7, v3  }
0x2d7: {  	v3 =	vor.u32 v3, v4  }
0x2d8: {  	v4 =	vperm.xlane v3, v0;
	_ =	sdelay $0x1  }
0x2d9: {  	v4 =	vadd.s32 v1, v4;
	_ =	sdelay $0x4  }
0x2da: {  	[tilespmem:s26], [sflag:$0x4] =	stream.indirect_vreg.gather [hbm4b:s2+s3], $0x80, v4, vm0, $0xb8;
	[tilespmem:$0x1D000] =	vst v63  }
0x2db: {  	_ = 	snop  }
0x2dc: {  	[tilespmem:s19], [sflag:$0x4] =	stream.indirect_vreg.gather [hbm4b:s5+s3], $0x80, v4, vm0, $0xb8;
	[tilespmem:$0x1D000] =	vst v63  }
0x2dd: {  	v3 =	vperm.xlane v3, v2  }
0x2de: {  	[tilespmem:s4], [sflag:$0x4] =	stream.indirect_vreg.gather [hbm4b:s6+s3], $0x80, v4, vm0, $0xb8;
	[tilespmem:$0x1D000] =	vst v63  }
0x2df: {  	v3 =	vadd.s32 v1, v3  }
0x2e0: {  	[tilespmem:s21], [sflag:$0x4] =	stream.indirect_vreg.gather [hbm4b:s7+s3], $0x80, v4, vm0, $0xb8;
	[tilespmem:$0x1D000] =	vst v63  }
0x2e1: {  	_ = 	snop  }
0x2e2: {  	[tilespmem:s28], [sflag:$0x4] =	stream.indirect_vreg.gather [hbm4b:s8+s3], $0x80, v4, vm1, $0xb8;
	[tilespmem:$0x1D000] =	vst v63  }
0x2e3: {  	s4 =	simm.s32 $0x11C00  }
0x2e4: {  	[tilespmem:s4], [sflag:$0x4] =	stream.indirect_vreg.gather [hbm4b:s2+s3], $0x80, v3, vm0, $0xb8;
	[tilespmem:$0x1D000] =	vst v63  }
0x2e5: {  	s10 =	simm.s32 $0x12400  }
0x2e6: {  	[tilespmem:s10], [sflag:$0x4] =	stream.indirect_vreg.gather [hbm4b:s5+s3], $0x80, v3, vm0, $0xb8;
	[tilespmem:$0x1D000] =	vst v63  }
0x2e7: {  	s19 =	simm.s32 $0x12C00  }
0x2e8: {  	[tilespmem:s19], [sflag:$0x4] =	stream.indirect_vreg.gather [hbm4b:s6+s3], $0x80, v3, vm0, $0xb8;
	[tilespmem:$0x1D000] =	vst v63  }
0x2e9: {  	_ = 	snop  }
0x2ea: {  	[tilespmem:s25], [sflag:$0x4] =	stream.indirect_vreg.gather [hbm4b:s7+s3], $0x80, v3, vm0, $0xb8;
	[tilespmem:$0x1D000] =	vst v63  }
0x2eb: {  	s25 =	simm.s32 $0x13C00  }
0x2ec: {  	[tilespmem:s25], [sflag:$0x4] =	stream.indirect_vreg.gather [hbm4b:s8+s3], $0x80, v3, vm1, $0xb8;
	[tilespmem:$0x1D000] =	vst v63  }
0x2ed: {  	_ =	swait.ge [sflag:s20], $0x4800  }
0x2ee: {  	[sflag:s20] =	ssyncset.done $0x0  }
0x2ef: {  	s1 =	rddreg [dreg:$0x16];
	[sflag:s20] =	ssyncadd.s32 $0xFFFFB800  }
0x2f0: {  	[hbm4b:s1+s3] =	stream.linear.scatter [tilespmem:s30], [sflag:$0xC], $0x4800, $0x38;
	[tilespmem:$0x1D000] =	vst v63  }
0x2f1: {  	_ =	swait.ge [sflag:s22], $0x4800  }
0x2f2: {  	[sflag:s22] =	ssyncset.done $0x0  }
0x2f3: {  	s30 =	rddreg [dreg:$0x17];
	[sflag:s22] =	ssyncadd.s32 $0xFFFFB800  }
0x2f4: {  	[hbm4b:s30+s3] =	stream.linear.scatter [tilespmem:s18], [sflag:$0x7], $0x4800, $0x38;
	[tilespmem:$0x1D000] =	vst v63  }
0x2f5: {  	_ =	swait.ge [sflag:s11], $0x4800  }
0x2f6: {  	[sflag:s11] =	ssyncset.done $0x0  }
0x2f7: {  	s30 =	rddreg [dreg:$0x18];
	[sflag:s11] =	ssyncadd.s32 $0xFFFFB800  }
0x2f8: {  	[hbm4b:s30+s3] =	stream.linear.scatter [tilespmem:s13], [sflag:$0x8], $0x4800, $0x38;
	[tilespmem:$0x1D000] =	vst v63  }
0x2f9: {  	_ =	swait.ge [sflag:s9], $0x4800  }
0x2fa: {  	[sflag:s9] =	ssyncset.done $0x0  }
0x2fb: {  	s18 =	rddreg [dreg:$0x19];
	[sflag:s9] =	ssyncadd.s32 $0xFFFFB800  }
0x2fc: {  	[hbm4b:s18+s3] =	stream.linear.scatter [tilespmem:s23], [sflag:$0x9], $0x4800, $0x38;
	[tilespmem:$0x1D000] =	vst v63  }
0x2fd: {  	s23 =	rddreg [dreg:$0x1a]  }
0x2fe: {  	[hbm4b:s23+s3] =	stream.linear.scatter [tilespmem:s26], [sflag:$0xA], $0x4800, $0x38;
	[tilespmem:$0x1D000] =	vst v63  }
0x2ff: {  	_ =	swait.ge [sflag:s0], $0x4800  }
0x300: {  	[sflag:s0] =	ssyncset.done $0x0  }
0x301: {  	[sflag:s0] =	ssyncadd.s32 $0xFFFFB800  }
0x302: {  	_ =	swait.ge [sflag:s17], $0x4800  }
0x303: {  	[sflag:s17] =	ssyncset.done $0x0  }
0x304: {  	[sflag:s17] =	ssyncadd.s32 $0xFFFFB800  }
0x305: {  	_ =	swait.ge [sflag:s12], $0x4800  }
0x306: {  	[sflag:s12] =	ssyncset.done $0x0  }
0x307: {  	[sflag:s12] =	ssyncadd.s32 $0xFFFFB800  }
0x308: {  	_ =	swait.ge [sflag:s14], $0x4800  }
0x309: {  	[sflag:s14] =	ssyncset.done $0x0  }
0x30a: {  	[sflag:s14] =	ssyncadd.s32 $0xFFFFB800  }
0x30b: {  	_ =	swait.ge [sflag:s15], $0x4800  }
0x30c: {  	[sflag:s15] =	ssyncset.done $0x0  }
0x30d: {  	[sflag:s15] =	ssyncadd.s32 $0xFFFFB800  }
0x30e: {  	_ =	swait.ge [sflag:s16], $0x4800  }
0x30f: {  	s26 =	rddreg [dreg:$0x1c]  }
0x310: {  	s30 =	rddreg [dreg:$0x1b];
	s13 =	sadd.s32 $0x1, s26  }
0x311: {  	p0 =	sne.s32 s13, s30  }
.Ltmp1:
0x312: {  	_ = 	snop;
	(pc) =	sbr.rel @p0 .LBB2_1-.Ltmp1, $4  }
0x313: {  	_ = 	snop  }
0x314: {  	s29 =	simm.s32 $0x11800;
	s21 =	simm.s32 $0x12400;
	s28 =	simm.s32 $0x11C00  }
0x315: {  	s4 =	simm.s32 $0x12C00;
	s10 =	simm.s32 $0x13400;
	[sflag:s16] =	ssyncset.done $0x0  }
0x316: {  	s19 =	simm.s32 $0x13C00;
	s25 =	simm.s32 $0x18800;
	[sflag:s16] =	ssyncadd.s32 $0xFFFFB800  }
0x317: {  	_ =	sfence.sel $0x180000  }
0x318: {  	[bflag:$0x0] =	sbarrier.arrive $0xFFFF  }
0x319: {  	_ =	strace $0x90000047  }
0x31a: {  	s0 =	stileid.u32;
	[bflag:$0x2] =	sbarrier.arrive $0xFFFF  }
0x31b: {  	p0 =	sne.s32 s0, $0x0;
	s0 =	rddreg [dreg:$0x3]  }
0x31c: {  	s0 =	sadd.s32 @!p0 $0x100000, s0  }
0x31d: {  	[sflag:s0] =	ssyncadd.tile.s32 @!p0 $0x1;
	_ =	shalt  }
.Lfunc_end2:
_tile_overlayer_lowered:
.L_overlay_start_2:
0x31e: {  	(tag) =	ssettag $0x2  }
0x31f: {  	s0 =	rddreg [dreg:$0x0];
	s2 =	stileid.u32  }
0x320: {  	s1 =	rddreg [dreg:$0x1];
	p0 =	sne.s32 s2, $0x0  }
0x321: {  	s3 =	rddreg [dreg:$0x2];
	[bflag:$0x3] =	sbarrier.arrive $0xFFFF;
	s2 =	simm.s32 @!p0 $0x1C0D  }
0x322: {  	[timem:s3], [sflag:s2] =	dma.local @!p0 [hbm:s0], s1  }
0x323: {  	s0 =	simm.s32 @!p0 $0xD  }
0x324: {  	_ =	swait.ge @!p0 [sflag:s0], s1  }
0x325: {  	s1 =	ssub.s32 @!p0 $0x0, s1;
	[sflag:s0] =	ssyncset.done @!p0 $0x0  }
0x326: {  	[sflag:s0] =	ssyncadd.s32 @!p0 s1  }
0x327: {  	[bflag:$0x3] =	sbarrier.arrive $0xFFFF  }
0x328: {  	_ =	shalt  }

</sc_bundles>
